<compile_context>
chip_gen: v7x
topology: tpu7x:2x2x1
jax: 0.10.2.dev20260603
libtpu: 0.0.44.dev20260713+nightly
codegen_flags: <defaults>
</compile_context>

<pallas_src>
import functools

import jax
import jax.numpy as jnp
from jax import lax
from jax.experimental import pallas as pl
from jax.experimental.pallas import tpu as pltpu
from jax.experimental.pallas import tpu_sc as plsc

B = 16384
K = 8192
D = 32
BLK = 4096
EBLK = 2048
COMMITMENT_WEIGHT = 0.25

_SC_INFO = plsc.get_sparse_core_info()
_NW = _SC_INFO.num_cores * _SC_INFO.num_subcores
_B_PER_W = B // _NW


_CW = 128


def _prep_body(cb_ref, c2_ref, cbbf_ref):
    cbf = cb_ref[...]
    c2_ref[...] = jnp.sum(cbf * cbf, axis=1).reshape(K // _CW, _CW)
    cbbf_ref[...] = cbf.astype(jnp.bfloat16)


def _argmin_body(x_ref, c2_ref, cbbf_ref, codes_ref):
    x_blk = x_ref[...]
    x2 = jnp.sum(x_blk * x_blk, axis=1, keepdims=True)
    xm2 = (-2.0 * x_blk).astype(jnp.bfloat16)
    GW = 1024
    vals, idxs = [], []
    lane = jax.lax.broadcasted_iota(jnp.int32, (BLK, _CW), 1)
    for h in range(2):
        m = jnp.full((BLK, _CW), jnp.inf, jnp.float32)
        bi = jnp.zeros((BLK, _CW), jnp.int32)
        for g in range((K // 2) // GW):
            row0 = h * (K // 2) + g * GW
            xc_g = jax.lax.dot_general(
                xm2, cbbf_ref[row0:row0 + GW, :], (((1,), (1,)), ((), ())),
                preferred_element_type=jnp.float32)
            for jj in range(GW // _CW):
                j = g * (GW // _CW) + jj
                col = row0 + jj * _CW
                d2c = ((x2 + xc_g[:, jj * _CW:(jj + 1) * _CW])
                       + c2_ref[col // _CW][None, :])
                bi = jnp.where(d2c < m, j, bi)
                m = jnp.minimum(m, d2c)
        v = jnp.min(m, axis=1)
        cand = jnp.where(m == v[:, None], bi * _CW + lane, jnp.int32(K))
        vals.append(v)
        idxs.append(jnp.min(cand, axis=1))
    v1b = vals[0].astype(jnp.bfloat16).astype(jnp.float32)
    codes_ref[...] = jnp.where(vals[1] < v1b, idxs[1] + K // 2, idxs[0])


_GCHUNK = 128
_CH_PER_W = _B_PER_W // _GCHUNK


def _gather_body(cb_hbm, codes_hbm, out_hbm, idx_v, rows_v, sem):
    wid = lax.axis_index("s") * _SC_INFO.num_cores + lax.axis_index("c")
    base = wid * _CH_PER_W
    pltpu.sync_copy(codes_hbm.at[pl.ds(base, _CH_PER_W)], idx_v)
    copies = [
        pltpu.async_copy(cb_hbm.at[idx_v.at[j]], rows_v.at[j], sem)
        for j in range(_CH_PER_W)
    ]
    for c in copies:
        c.wait()
    pltpu.sync_copy(rows_v, out_hbm.at[pl.ds(base, _CH_PER_W)])


def _st_body(x_ref, ek_ref, q_ref, res_ref, loss_ref):
    i = pl.program_id(0)
    x_blk = x_ref[...]
    e_k = ek_ref[:, :D]
    q_ref[...] = x_blk + (e_k - x_blk)
    r = x_blk - e_k
    res_ref[...] = r

    @pl.when(i == 0)
    def _():
        loss_ref[...] = jnp.zeros_like(loss_ref)

    loss_ref[...] += jnp.sum(r * r)[None, None] * (COMMITMENT_WEIGHT / (B * D))


@jax.jit
def kernel(x, codebook):
    c2m, cbbf = pl.pallas_call(
        _prep_body,
        out_shape=[
            jax.ShapeDtypeStruct((K // _CW, _CW), jnp.float32),
            jax.ShapeDtypeStruct((K, D), jnp.bfloat16),
        ],
    )(codebook)

    codes = pl.pallas_call(
        _argmin_body,
        grid=(B // BLK,),
        in_specs=[
            pl.BlockSpec((BLK, D), lambda i: (i, 0)),
            pl.BlockSpec((K // _CW, _CW), lambda i: (0, 0)),
            pl.BlockSpec((K, D), lambda i: (0, 0)),
        ],
        out_specs=pl.BlockSpec((BLK,), lambda i: (i,)),
        out_shape=jax.ShapeDtypeStruct((B,), jnp.int32),
    )(x, c2m, cbbf)

    cb_pad = jnp.pad(codebook, ((0, 0), (0, 128 - D)))
    codes2 = codes.reshape(B // _GCHUNK, _GCHUNK)
    sc_gather = functools.partial(
        pl.kernel,
        mesh=plsc.VectorSubcoreMesh(core_axis_name="c", subcore_axis_name="s"),
        out_type=jax.ShapeDtypeStruct((B // _GCHUNK, _GCHUNK, 128), jnp.float32),
        scratch_types=[
            pltpu.VMEM((_CH_PER_W, _GCHUNK), jnp.int32),
            pltpu.VMEM((_CH_PER_W, _GCHUNK, 128), jnp.float32),
            pltpu.SemaphoreType.DMA,
        ],
    )(_gather_body)
    ek_pad = sc_gather(cb_pad, codes2).reshape(B, 128)

    q, res, loss = pl.pallas_call(
        _st_body,
        grid=(B // EBLK,),
        in_specs=[
            pl.BlockSpec((EBLK, D), lambda i: (i, 0)),
            pl.BlockSpec((EBLK, 128), lambda i: (i, 0)),
        ],
        out_specs=[
            pl.BlockSpec((EBLK, D), lambda i: (i, 0)),
            pl.BlockSpec((EBLK, D), lambda i: (i, 0)),
            pl.BlockSpec((1, 1), lambda i: (0, 0)),
        ],
        out_shape=[
            jax.ShapeDtypeStruct((B, D), jnp.float32),
            jax.ShapeDtypeStruct((B, D), jnp.float32),
            jax.ShapeDtypeStruct((1, 1), jnp.float32),
        ],
    )(x, ek_pad)
    return q, codes, res, loss.reshape(())

# --- scband reference (transcript-rebuilt; emitter-appended) ---
"""Pipeline reference for scband-vqquantizer-50989851738234 (READ-ONLY COPY).

The authoritative reference and input builder live on the scoring server;
editing this copy changes nothing except your own understanding.
"""

import jax, jax.numpy as jnp
import numpy as np

CODEBOOK_SIZE = 8192
DIM = 32
B = 16384
COMMITMENT_WEIGHT = 0.25

def setup_inputs(seed: int = 0) -> dict:
    key = jax.random.key(seed)
    k1, k2 = jax.random.split(key)
    x = jax.random.normal(k1, (B, DIM), dtype=jnp.float32)
    # learned parameter: codebook embeddings (EuclideanCodebook), init ~ N(0,1)
    codebook = jax.random.normal(k2, (CODEBOOK_SIZE, DIM), dtype=jnp.float32)
    return {"x": x, "codebook": codebook}

def reference(x, codebook):
    # eval-mode quantize(): nearest-neighbor search over euclidean codebook
    x2 = jnp.sum(x * x, axis=1, keepdims=True)              # [B, 1]
    c2 = jnp.sum(codebook * codebook, axis=1)               # [K]
    d2 = x2 - 2.0 * (x @ codebook.T) + c2[None, :]          # [B, K] squared dists
    codes = jnp.argmin(d2, axis=1)                          # [B]
    e_k = jnp.take(codebook, codes, axis=0)                 # gather lookup [B, D]
    # straight-through estimator
    quantized_st = x + jax.lax.stop_gradient(e_k - x)
    residuals = jax.lax.stop_gradient(x - e_k)
    # non-learnable codebook branch: beta * mse(x, sg[e_k])
    commitment_loss = COMMITMENT_WEIGHT * jnp.mean((x - jax.lax.stop_gradient(e_k)) ** 2)
    return quantized_st, codes, residuals, commitment_loss

if __name__ == "__main__":
    import jax
    _d = setup_inputs()
    print(jax.jit(kernel)(*tuple(_d.values())))

</pallas_src>

<mosaic_0001>
#map = affine_map<(d0, d1) -> (0, 0)>
#map1 = affine_map<(d0, d1) -> (0, 0, 0)>
module attributes {stable_mosaic.version = 14 : i64} {
  func.func @_gather_body(%arg0: i32, %arg1: i32, %arg2: memref<8192x128xf32, #tpu.memory_space<hbm>>, %arg3: memref<128x128xi32, #tpu.memory_space<hbm>>, %arg4: memref<128x128x128xf32, #tpu.memory_space<hbm>>, %arg5: memref<4x128xi32, #tpu.memory_space<vmem>>, %arg6: memref<4x128x128xf32, #tpu.memory_space<vmem>>, %arg7: memref<!tpu.dma_semaphore, #tpu.memory_space<semaphore_mem>>) attributes {dimension_semantics = [#tpu.dimension_semantics<core_parallel>, #tpu.dimension_semantics<subcore_parallel>], iteration_bounds = array<i64: 2, 16>, scalar_prefetch = 0 : i64, scratch_operands = 3 : i64, tpu.core_type = #tpu.core_type<sc_vector_subcore>, window_params = [{transform_indices = #map}, {transform_indices = #map}, {transform_indices = #map1}]} {
    %mul3A = arith.constant 2 : i32
    %mul3A_0 = arith.muli %arg1, %mul3A : i32
    %add3A = arith.addi %mul3A_0, %arg0 : i32
    %mul3A_1 = arith.constant 4 : i32
    %mul3A_2 = arith.muli %add3A, %mul3A_1 : i32
    "tpu.region"() ({
      %run_scoped3A = tpu.sem_alloc : memref<!tpu.dma_semaphore, #tpu.memory_space<semaphore_mem>>
      %dma_start3A_97 = arith.constant 0 : i32
      %dma_start3A_98 = tpu.memref_slice %arg3[%mul3A_2, %dma_start3A_97] : memref<128x128xi32, #tpu.memory_space<hbm>> -> memref<4x128xi32, #tpu.memory_space<hbm>>
      %dma_start3A_99 = arith.constant 0 : i32
      %dma_start3A_100 = tpu.memref_slice %arg3[%mul3A_2, %dma_start3A_99] : memref<128x128xi32, #tpu.memory_space<hbm>> -> memref<4x128xi32, #tpu.memory_space<hbm>>
      tpu.enqueue_dma source(%dma_start3A_100 : memref<4x128xi32, #tpu.memory_space<hbm>>) target(%arg5 : memref<4x128xi32, #tpu.memory_space<vmem>>) target_semaphore(%run_scoped3A : memref<!tpu.dma_semaphore, #tpu.memory_space<semaphore_mem>>)
      %dma_wait3A_101 = arith.constant 0 : i32
      %dma_wait3A_102 = tpu.memref_slice %arg3[%mul3A_2, %dma_wait3A_101] : memref<128x128xi32, #tpu.memory_space<hbm>> -> memref<4x128xi32, #tpu.memory_space<hbm>>
      %dma_wait3A_103 = arith.constant 0 : i32
      %dma_wait3A_104 = tpu.memref_slice %arg3[%mul3A_2, %dma_wait3A_103] : memref<128x128xi32, #tpu.memory_space<hbm>> -> memref<4x128xi32, #tpu.memory_space<hbm>>
      tpu.wait_dma2 semaphore(%run_scoped3A : memref<!tpu.dma_semaphore, #tpu.memory_space<semaphore_mem>>) src(%dma_wait3A_104 : memref<4x128xi32, #tpu.memory_space<hbm>>) dst(%arg5 : memref<4x128xi32, #tpu.memory_space<vmem>>)
      tpu.yield
    }) : () -> ()
    %dma_start3A = arith.constant 0 : i32
    %dma_start3A_3 = arith.constant 0 : i32
    %dma_start3A_4 = arith.constant 0 : i32
    %dma_start3A_5 = arith.constant 0 : i32
    %dma_start3A_6 = tpu.memref_slice %arg6[%dma_start3A_3, %dma_start3A_4, %dma_start3A_5] : memref<4x128x128xf32, #tpu.memory_space<vmem>> -> memref<1x128x128xf32, #tpu.memory_space<vmem>>
    %dma_start3A_7 = tpu.memref_squeeze %dma_start3A_6 : memref<1x128x128xf32, #tpu.memory_space<vmem>> -> memref<128x128xf32, #tpu.memory_space<vmem>>
    %dma_start3A_8 = arith.constant 0 : i32
    %dma_start3A_9 = tpu.memref_slice %arg5[%dma_start3A, %dma_start3A_8] : memref<4x128xi32, #tpu.memory_space<vmem>> -> memref<1x128xi32, #tpu.memory_space<vmem>>
    %dma_start3A_10 = tpu.memref_squeeze %dma_start3A_9 : memref<1x128xi32, #tpu.memory_space<vmem>> -> memref<128xi32, #tpu.memory_space<vmem>>
    %dma_start3A_11 = arith.constant 0 : i32
    %dma_start3A_12 = arith.constant 0 : i32
    %dma_start3A_13 = tpu.memref_slice %arg2[%dma_start3A_11, %dma_start3A_12] : memref<8192x128xf32, #tpu.memory_space<hbm>> -> memref<8192x128xf32, #tpu.memory_space<hbm>>
    tpu.enqueue_indirect_dma source(%dma_start3A_13 : memref<8192x128xf32, #tpu.memory_space<hbm>>) target(%dma_start3A_7 : memref<128x128xf32, #tpu.memory_space<vmem>>) offsets(%dma_start3A_10 : memref<128xi32, #tpu.memory_space<vmem>>) semaphore(%arg7 : memref<!tpu.dma_semaphore, #tpu.memory_space<semaphore_mem>>)
    %dma_start3A_14 = arith.constant 1 : i32
    %dma_start3A_15 = arith.constant 1 : i32
    %dma_start3A_16 = arith.constant 0 : i32
    %dma_start3A_17 = arith.constant 0 : i32
    %dma_start3A_18 = tpu.memref_slice %arg6[%dma_start3A_15, %dma_start3A_16, %dma_start3A_17] : memref<4x128x128xf32, #tpu.memory_space<vmem>> -> memref<1x128x128xf32, #tpu.memory_space<vmem>>
    %dma_start3A_19 = tpu.memref_squeeze %dma_start3A_18 : memref<1x128x128xf32, #tpu.memory_space<vmem>> -> memref<128x128xf32, #tpu.memory_space<vmem>>
    %dma_start3A_20 = arith.constant 0 : i32
    %dma_start3A_21 = tpu.memref_slice %arg5[%dma_start3A_14, %dma_start3A_20] : memref<4x128xi32, #tpu.memory_space<vmem>> -> memref<1x128xi32, #tpu.memory_space<vmem>>
    %dma_start3A_22 = tpu.memref_squeeze %dma_start3A_21 : memref<1x128xi32, #tpu.memory_space<vmem>> -> memref<128xi32, #tpu.memory_space<vmem>>
    %dma_start3A_23 = arith.constant 0 : i32
    %dma_start3A_24 = arith.constant 0 : i32
    %dma_start3A_25 = tpu.memref_slice %arg2[%dma_start3A_23, %dma_start3A_24] : memref<8192x128xf32, #tpu.memory_space<hbm>> -> memref<8192x128xf32, #tpu.memory_space<hbm>>
    tpu.enqueue_indirect_dma source(%dma_start3A_25 : memref<8192x128xf32, #tpu.memory_space<hbm>>) target(%dma_start3A_19 : memref<128x128xf32, #tpu.memory_space<vmem>>) offsets(%dma_start3A_22 : memref<128xi32, #tpu.memory_space<vmem>>) semaphore(%arg7 : memref<!tpu.dma_semaphore, #tpu.memory_space<semaphore_mem>>)
    %dma_start3A_26 = arith.constant 2 : i32
    %dma_start3A_27 = arith.constant 2 : i32
    %dma_start3A_28 = arith.constant 0 : i32
    %dma_start3A_29 = arith.constant 0 : i32
    %dma_start3A_30 = tpu.memref_slice %arg6[%dma_start3A_27, %dma_start3A_28, %dma_start3A_29] : memref<4x128x128xf32, #tpu.memory_space<vmem>> -> memref<1x128x128xf32, #tpu.memory_space<vmem>>
    %dma_start3A_31 = tpu.memref_squeeze %dma_start3A_30 : memref<1x128x128xf32, #tpu.memory_space<vmem>> -> memref<128x128xf32, #tpu.memory_space<vmem>>
    %dma_start3A_32 = arith.constant 0 : i32
    %dma_start3A_33 = tpu.memref_slice %arg5[%dma_start3A_26, %dma_start3A_32] : memref<4x128xi32, #tpu.memory_space<vmem>> -> memref<1x128xi32, #tpu.memory_space<vmem>>
    %dma_start3A_34 = tpu.memref_squeeze %dma_start3A_33 : memref<1x128xi32, #tpu.memory_space<vmem>> -> memref<128xi32, #tpu.memory_space<vmem>>
    %dma_start3A_35 = arith.constant 0 : i32
    %dma_start3A_36 = arith.constant 0 : i32
    %dma_start3A_37 = tpu.memref_slice %arg2[%dma_start3A_35, %dma_start3A_36] : memref<8192x128xf32, #tpu.memory_space<hbm>> -> memref<8192x128xf32, #tpu.memory_space<hbm>>
    tpu.enqueue_indirect_dma source(%dma_start3A_37 : memref<8192x128xf32, #tpu.memory_space<hbm>>) target(%dma_start3A_31 : memref<128x128xf32, #tpu.memory_space<vmem>>) offsets(%dma_start3A_34 : memref<128xi32, #tpu.memory_space<vmem>>) semaphore(%arg7 : memref<!tpu.dma_semaphore, #tpu.memory_space<semaphore_mem>>)
    %dma_start3A_38 = arith.constant 3 : i32
    %dma_start3A_39 = arith.constant 3 : i32
    %dma_start3A_40 = arith.constant 0 : i32
    %dma_start3A_41 = arith.constant 0 : i32
    %dma_start3A_42 = tpu.memref_slice %arg6[%dma_start3A_39, %dma_start3A_40, %dma_start3A_41] : memref<4x128x128xf32, #tpu.memory_space<vmem>> -> memref<1x128x128xf32, #tpu.memory_space<vmem>>
    %dma_start3A_43 = tpu.memref_squeeze %dma_start3A_42 : memref<1x128x128xf32, #tpu.memory_space<vmem>> -> memref<128x128xf32, #tpu.memory_space<vmem>>
    %dma_start3A_44 = arith.constant 0 : i32
    %dma_start3A_45 = tpu.memref_slice %arg5[%dma_start3A_38, %dma_start3A_44] : memref<4x128xi32, #tpu.memory_space<vmem>> -> memref<1x128xi32, #tpu.memory_space<vmem>>
    %dma_start3A_46 = tpu.memref_squeeze %dma_start3A_45 : memref<1x128xi32, #tpu.memory_space<vmem>> -> memref<128xi32, #tpu.memory_space<vmem>>
    %dma_start3A_47 = arith.constant 0 : i32
    %dma_start3A_48 = arith.constant 0 : i32
    %dma_start3A_49 = tpu.memref_slice %arg2[%dma_start3A_47, %dma_start3A_48] : memref<8192x128xf32, #tpu.memory_space<hbm>> -> memref<8192x128xf32, #tpu.memory_space<hbm>>
    tpu.enqueue_indirect_dma source(%dma_start3A_49 : memref<8192x128xf32, #tpu.memory_space<hbm>>) target(%dma_start3A_43 : memref<128x128xf32, #tpu.memory_space<vmem>>) offsets(%dma_start3A_46 : memref<128xi32, #tpu.memory_space<vmem>>) semaphore(%arg7 : memref<!tpu.dma_semaphore, #tpu.memory_space<semaphore_mem>>)
    %dma_wait3A = arith.constant 0 : i32
    %dma_wait3A_50 = arith.constant 0 : i32
    %dma_wait3A_51 = arith.constant 0 : i32
    %dma_wait3A_52 = arith.constant 0 : i32
    %dma_wait3A_53 = tpu.memref_slice %arg6[%dma_wait3A_50, %dma_wait3A_51, %dma_wait3A_52] : memref<4x128x128xf32, #tpu.memory_space<vmem>> -> memref<1x128x128xf32, #tpu.memory_space<vmem>>
    %dma_wait3A_54 = tpu.memref_squeeze %dma_wait3A_53 : memref<1x128x128xf32, #tpu.memory_space<vmem>> -> memref<128x128xf32, #tpu.memory_space<vmem>>
    %dma_wait3A_55 = arith.constant 0 : i32
    %dma_wait3A_56 = tpu.memref_slice %arg5[%dma_wait3A, %dma_wait3A_55] : memref<4x128xi32, #tpu.memory_space<vmem>> -> memref<1x128xi32, #tpu.memory_space<vmem>>
    %dma_wait3A_57 = tpu.memref_squeeze %dma_wait3A_56 : memref<1x128xi32, #tpu.memory_space<vmem>> -> memref<128xi32, #tpu.memory_space<vmem>>
    %dma_wait3A_58 = arith.constant 0 : i32
    %dma_wait3A_59 = arith.constant 0 : i32
    %dma_wait3A_60 = tpu.memref_slice %arg2[%dma_wait3A_58, %dma_wait3A_59] : memref<8192x128xf32, #tpu.memory_space<hbm>> -> memref<8192x128xf32, #tpu.memory_space<hbm>>
    tpu.wait_indirect_dma semaphore(%arg7 : memref<!tpu.dma_semaphore, #tpu.memory_space<semaphore_mem>>) src(%dma_wait3A_60 : memref<8192x128xf32, #tpu.memory_space<hbm>>) dst(%dma_wait3A_54 : memref<128x128xf32, #tpu.memory_space<vmem>>)
    %dma_wait3A_61 = arith.constant 1 : i32
    %dma_wait3A_62 = arith.constant 1 : i32
    %dma_wait3A_63 = arith.constant 0 : i32
    %dma_wait3A_64 = arith.constant 0 : i32
    %dma_wait3A_65 = tpu.memref_slice %arg6[%dma_wait3A_62, %dma_wait3A_63, %dma_wait3A_64] : memref<4x128x128xf32, #tpu.memory_space<vmem>> -> memref<1x128x128xf32, #tpu.memory_space<vmem>>
    %dma_wait3A_66 = tpu.memref_squeeze %dma_wait3A_65 : memref<1x128x128xf32, #tpu.memory_space<vmem>> -> memref<128x128xf32, #tpu.memory_space<vmem>>
    %dma_wait3A_67 = arith.constant 0 : i32
    %dma_wait3A_68 = tpu.memref_slice %arg5[%dma_wait3A_61, %dma_wait3A_67] : memref<4x128xi32, #tpu.memory_space<vmem>> -> memref<1x128xi32, #tpu.memory_space<vmem>>
    %dma_wait3A_69 = tpu.memref_squeeze %dma_wait3A_68 : memref<1x128xi32, #tpu.memory_space<vmem>> -> memref<128xi32, #tpu.memory_space<vmem>>
    %dma_wait3A_70 = arith.constant 0 : i32
    %dma_wait3A_71 = arith.constant 0 : i32
    %dma_wait3A_72 = tpu.memref_slice %arg2[%dma_wait3A_70, %dma_wait3A_71] : memref<8192x128xf32, #tpu.memory_space<hbm>> -> memref<8192x128xf32, #tpu.memory_space<hbm>>
    tpu.wait_indirect_dma semaphore(%arg7 : memref<!tpu.dma_semaphore, #tpu.memory_space<semaphore_mem>>) src(%dma_wait3A_72 : memref<8192x128xf32, #tpu.memory_space<hbm>>) dst(%dma_wait3A_66 : memref<128x128xf32, #tpu.memory_space<vmem>>)
    %dma_wait3A_73 = arith.constant 2 : i32
    %dma_wait3A_74 = arith.constant 2 : i32
    %dma_wait3A_75 = arith.constant 0 : i32
    %dma_wait3A_76 = arith.constant 0 : i32
    %dma_wait3A_77 = tpu.memref_slice %arg6[%dma_wait3A_74, %dma_wait3A_75, %dma_wait3A_76] : memref<4x128x128xf32, #tpu.memory_space<vmem>> -> memref<1x128x128xf32, #tpu.memory_space<vmem>>
    %dma_wait3A_78 = tpu.memref_squeeze %dma_wait3A_77 : memref<1x128x128xf32, #tpu.memory_space<vmem>> -> memref<128x128xf32, #tpu.memory_space<vmem>>
    %dma_wait3A_79 = arith.constant 0 : i32
    %dma_wait3A_80 = tpu.memref_slice %arg5[%dma_wait3A_73, %dma_wait3A_79] : memref<4x128xi32, #tpu.memory_space<vmem>> -> memref<1x128xi32, #tpu.memory_space<vmem>>
    %dma_wait3A_81 = tpu.memref_squeeze %dma_wait3A_80 : memref<1x128xi32, #tpu.memory_space<vmem>> -> memref<128xi32, #tpu.memory_space<vmem>>
    %dma_wait3A_82 = arith.constant 0 : i32
    %dma_wait3A_83 = arith.constant 0 : i32
    %dma_wait3A_84 = tpu.memref_slice %arg2[%dma_wait3A_82, %dma_wait3A_83] : memref<8192x128xf32, #tpu.memory_space<hbm>> -> memref<8192x128xf32, #tpu.memory_space<hbm>>
    tpu.wait_indirect_dma semaphore(%arg7 : memref<!tpu.dma_semaphore, #tpu.memory_space<semaphore_mem>>) src(%dma_wait3A_84 : memref<8192x128xf32, #tpu.memory_space<hbm>>) dst(%dma_wait3A_78 : memref<128x128xf32, #tpu.memory_space<vmem>>)
    %dma_wait3A_85 = arith.constant 3 : i32
    %dma_wait3A_86 = arith.constant 3 : i32
    %dma_wait3A_87 = arith.constant 0 : i32
    %dma_wait3A_88 = arith.constant 0 : i32
    %dma_wait3A_89 = tpu.memref_slice %arg6[%dma_wait3A_86, %dma_wait3A_87, %dma_wait3A_88] : memref<4x128x128xf32, #tpu.memory_space<vmem>> -> memref<1x128x128xf32, #tpu.memory_space<vmem>>
    %dma_wait3A_90 = tpu.memref_squeeze %dma_wait3A_89 : memref<1x128x128xf32, #tpu.memory_space<vmem>> -> memref<128x128xf32, #tpu.memory_space<vmem>>
    %dma_wait3A_91 = arith.constant 0 : i32
    %dma_wait3A_92 = tpu.memref_slice %arg5[%dma_wait3A_85, %dma_wait3A_91] : memref<4x128xi32, #tpu.memory_space<vmem>> -> memref<1x128xi32, #tpu.memory_space<vmem>>
    %dma_wait3A_93 = tpu.memref_squeeze %dma_wait3A_92 : memref<1x128xi32, #tpu.memory_space<vmem>> -> memref<128xi32, #tpu.memory_space<vmem>>
    %dma_wait3A_94 = arith.constant 0 : i32
    %dma_wait3A_95 = arith.constant 0 : i32
    %dma_wait3A_96 = tpu.memref_slice %arg2[%dma_wait3A_94, %dma_wait3A_95] : memref<8192x128xf32, #tpu.memory_space<hbm>> -> memref<8192x128xf32, #tpu.memory_space<hbm>>
    tpu.wait_indirect_dma semaphore(%arg7 : memref<!tpu.dma_semaphore, #tpu.memory_space<semaphore_mem>>) src(%dma_wait3A_96 : memref<8192x128xf32, #tpu.memory_space<hbm>>) dst(%dma_wait3A_90 : memref<128x128xf32, #tpu.memory_space<vmem>>)
    "tpu.region"() ({
      %run_scoped3A = tpu.sem_alloc : memref<!tpu.dma_semaphore, #tpu.memory_space<semaphore_mem>>
      %dma_start3A_97 = arith.constant 0 : i32
      %dma_start3A_98 = arith.constant 0 : i32
      %dma_start3A_99 = tpu.memref_slice %arg4[%mul3A_2, %dma_start3A_97, %dma_start3A_98] : memref<128x128x128xf32, #tpu.memory_space<hbm>> -> memref<4x128x128xf32, #tpu.memory_space<hbm>>
      %dma_start3A_100 = arith.constant 0 : i32
      %dma_start3A_101 = arith.constant 0 : i32
      %dma_start3A_102 = tpu.memref_slice %arg4[%mul3A_2, %dma_start3A_100, %dma_start3A_101] : memref<128x128x128xf32, #tpu.memory_space<hbm>> -> memref<4x128x128xf32, #tpu.memory_space<hbm>>
      tpu.enqueue_dma source(%arg6 : memref<4x128x128xf32, #tpu.memory_space<vmem>>) target(%dma_start3A_102 : memref<4x128x128xf32, #tpu.memory_space<hbm>>) target_semaphore(%run_scoped3A : memref<!tpu.dma_semaphore, #tpu.memory_space<semaphore_mem>>)
      %dma_wait3A_103 = arith.constant 0 : i32
      %dma_wait3A_104 = arith.constant 0 : i32
      %dma_wait3A_105 = tpu.memref_slice %arg4[%mul3A_2, %dma_wait3A_103, %dma_wait3A_104] : memref<128x128x128xf32, #tpu.memory_space<hbm>> -> memref<4x128x128xf32, #tpu.memory_space<hbm>>
      %dma_wait3A_106 = arith.constant 0 : i32
      %dma_wait3A_107 = arith.constant 0 : i32
      %dma_wait3A_108 = tpu.memref_slice %arg4[%mul3A_2, %dma_wait3A_106, %dma_wait3A_107] : memref<128x128x128xf32, #tpu.memory_space<hbm>> -> memref<4x128x128xf32, #tpu.memory_space<hbm>>
      tpu.wait_dma2 semaphore(%run_scoped3A : memref<!tpu.dma_semaphore, #tpu.memory_space<semaphore_mem>>) src(%arg6 : memref<4x128x128xf32, #tpu.memory_space<vmem>>) dst(%dma_wait3A_108 : memref<4x128x128xf32, #tpu.memory_space<hbm>>)
      tpu.yield
    }) : () -> ()
    return
  }
}

module attributes {stable_mosaic.version = 14 : i64} {
  func.func @_prep_body(%arg0: memref<8192x32xf32, #tpu.memory_space<vmem>>, %arg1: memref<64x128xf32, #tpu.memory_space<vmem>>, %arg2: memref<8192x32xbf16, #tpu.memory_space<vmem>>) attributes {dimension_semantics = [], scalar_prefetch = 0 : i64, scratch_operands = 0 : i64, tpu.core_type = #tpu.core_type<tc>} {
    %get3A = arith.constant 0 : index
    %get3A_0 = arith.constant 0 : index
    %get3A_1 = vector.load %arg0[%get3A, %get3A_0] : memref<8192x32xf32, #tpu.memory_space<vmem>>, vector<8192x32xf32>
    %mul3A = arith.mulf %get3A_1, %get3A_1 : vector<8192x32xf32>
    %reduce_sum3A = arith.constant dense<0.000000e+00> : vector<8192xf32>
    %reduce_sum3A_2 = vector.multi_reduction <add>, %mul3A, %reduce_sum3A [1] : vector<8192x32xf32> to vector<8192xf32>
    %reshape3A = vector.shape_cast %reduce_sum3A_2 : vector<8192xf32> to vector<64x128xf32>
    %swap3A = arith.constant 0 : index
    %swap3A_3 = arith.constant 0 : index
    %swap3A_4 = vector.load %arg1[%swap3A, %swap3A_3] : memref<64x128xf32, #tpu.memory_space<vmem>>, vector<64x128xf32>
    tpu.vector_store %arg1[%swap3A, %swap3A_3], %reshape3A {strides = array<i32>} : memref<64x128xf32, #tpu.memory_space<vmem>>, vector<64x128xf32>,
    %convert_element_type3A = arith.truncf %get3A_1 : vector<8192x32xf32> to vector<8192x32xbf16>
    %swap3A_5 = arith.constant 0 : index
    %swap3A_6 = arith.constant 0 : index
    %swap3A_7 = vector.load %arg2[%swap3A_5, %swap3A_6] : memref<8192x32xbf16, #tpu.memory_space<vmem>>, vector<8192x32xbf16>
    tpu.vector_store %arg2[%swap3A_5, %swap3A_6], %convert_element_type3A {strides = array<i32>} : memref<8192x32xbf16, #tpu.memory_space<vmem>>, vector<8192x32xbf16>,
    return
  }
}

module attributes {stable_mosaic.version = 14 : i64} {
  func.func @_argmin_body(%arg0: i32, %arg1: memref<4096x32xf32, #tpu.memory_space<vmem>>, %arg2: memref<64x128xf32, #tpu.memory_space<vmem>>, %arg3: memref<8192x32xbf16, #tpu.memory_space<vmem>>, %arg4: memref<4096xi32, #tpu.memory_space<vmem>>) attributes {dimension_semantics = [#tpu.dimension_semantics<arbitrary>], iteration_bounds = array<i64: 4>, scalar_prefetch = 0 : i64, scratch_operands = 0 : i64, tpu.core_type = #tpu.core_type<tc>, window_params = [{transform_indices = @transform_0, window_bounds = array<i64: 4096, 32>}, {pipeline_mode = #tpu.pipeline_mode<synchronous>, transform_indices = @transform_1, window_bounds = array<i64: 64, 128>}, {pipeline_mode = #tpu.pipeline_mode<synchronous>, transform_indices = @transform_2, window_bounds = array<i64: 8192, 32>}, {transform_indices = @transform_3, window_bounds = array<i64: 4096>}]} {
    %get3A = arith.constant 0 : index
    %get3A_0 = arith.constant 0 : index
    %get3A_1 = vector.load %arg1[%get3A, %get3A_0] : memref<4096x32xf32, #tpu.memory_space<vmem>>, vector<4096x32xf32>
    %mul3A = arith.mulf %get3A_1, %get3A_1 : vector<4096x32xf32>
    %reduce_sum3A = arith.constant dense<0.000000e+00> : vector<4096xf32>
    %reduce_sum3A_2 = vector.multi_reduction <add>, %mul3A, %reduce_sum3A [1] : vector<4096x32xf32> to vector<4096xf32>
    %broadcast_in_dim3A = vector.shape_cast %reduce_sum3A_2 : vector<4096xf32> to vector<4096x1xf32>
    %mul3A_3 = arith.constant -2.000000e+00 : f32
    %mul3A_4 = vector.broadcast %mul3A_3 : f32 to vector<4096x32xf32>
    %mul3A_5 = arith.mulf %mul3A_4, %get3A_1 : vector<4096x32xf32>
    %convert_element_type3A = arith.truncf %mul3A_5 : vector<4096x32xf32> to vector<4096x32xbf16>
    %iota3A = tpu.iota {dimensions = array<i32: 1>} : vector<4096x128xi32>
    %broadcast_in_dim3A_6 = arith.constant 0x7F800000 : f32
    %broadcast_in_dim3A_7 = vector.broadcast %broadcast_in_dim3A_6 : f32 to vector<4096x128xf32>
    %broadcast_in_dim3A_8 = arith.constant 0 : i32
    %broadcast_in_dim3A_9 = vector.broadcast %broadcast_in_dim3A_8 : i32 to vector<4096x128xi32>
    %get3A_10 = arith.constant 0 : index
    %get3A_11 = arith.constant 0 : index
    %get3A_12 = vector.load %arg3[%get3A_10, %get3A_11] : memref<8192x32xbf16, #tpu.memory_space<vmem>>, vector<1024x32xbf16>
    %dot_general3A = arith.constant dense<0.000000e+00> : vector<4096x1024xf32>
    %dot_general3A_13 = tpu.matmul %convert_element_type3A, %get3A_12, %dot_general3A {dimension_numbers = #tpu.dot_dimension_numbers<[1], [1], [0], [0], [0, 0, 1, 0], [], []>, transpose_lhs_hint = false} : vector<4096x32xbf16>, vector<1024x32xbf16>, vector<4096x1024xf32> -> vector<4096x1024xf32>
    %slice3A = vector.extract_strided_slice %dot_general3A_13 {offsets = [0, 0], sizes = [4096, 128], strides = [1, 1]} : vector<4096x1024xf32> to vector<4096x128xf32>
    %add3A = vector.broadcast %broadcast_in_dim3A : vector<4096x1xf32> to vector<4096x128xf32>
    %add3A_14 = arith.addf %add3A, %slice3A : vector<4096x128xf32>
    %get3A_15 = arith.constant 0 : index
    %get3A_16 = arith.constant 0 : index
    %get3A_17 = vector.load %arg2[%get3A_15, %get3A_16] : memref<64x128xf32, #tpu.memory_space<vmem>>, vector<1x128xf32>
    %get3A_18 = vector.shape_cast %get3A_17 : vector<1x128xf32> to vector<128xf32>
    %broadcast_in_dim3A_19 = vector.shape_cast %get3A_18 : vector<128xf32> to vector<1x128xf32>
    %add3A_20 = vector.broadcast %broadcast_in_dim3A_19 : vector<1x128xf32> to vector<4096x128xf32>
    %add3A_21 = arith.addf %add3A_14, %add3A_20 : vector<4096x128xf32>
    %lt3A = arith.cmpf olt, %add3A_21, %broadcast_in_dim3A_7 : vector<4096x128xf32>
    %jit3A = arith.constant 0 : i32
    %broadcast_in_dim3A_22 = vector.broadcast %jit3A : i32 to vector<4096x128xi32>
    %select_n3A = arith.select %lt3A, %broadcast_in_dim3A_22, %broadcast_in_dim3A_9 : vector<4096x128xi1>, vector<4096x128xi32>
    %min3A = arith.minimumf %broadcast_in_dim3A_7, %add3A_21 : vector<4096x128xf32>
    %slice3A_23 = vector.extract_strided_slice %dot_general3A_13 {offsets = [0, 128], sizes = [4096, 128], strides = [1, 1]} : vector<4096x1024xf32> to vector<4096x128xf32>
    %add3A_24 = vector.broadcast %broadcast_in_dim3A : vector<4096x1xf32> to vector<4096x128xf32>
    %add3A_25 = arith.addf %add3A_24, %slice3A_23 : vector<4096x128xf32>
    %get3A_26 = arith.constant 1 : index
    %get3A_27 = arith.constant 0 : index
    %get3A_28 = vector.load %arg2[%get3A_26, %get3A_27] : memref<64x128xf32, #tpu.memory_space<vmem>>, vector<1x128xf32>
    %get3A_29 = vector.shape_cast %get3A_28 : vector<1x128xf32> to vector<128xf32>
    %broadcast_in_dim3A_30 = vector.shape_cast %get3A_29 : vector<128xf32> to vector<1x128xf32>
    %add3A_31 = vector.broadcast %broadcast_in_dim3A_30 : vector<1x128xf32> to vector<4096x128xf32>
    %add3A_32 = arith.addf %add3A_25, %add3A_31 : vector<4096x128xf32>
    %lt3A_33 = arith.cmpf olt, %add3A_32, %min3A : vector<4096x128xf32>
    %jit3A_34 = arith.constant 1 : i32
    %broadcast_in_dim3A_35 = vector.broadcast %jit3A_34 : i32 to vector<4096x128xi32>
    %select_n3A_36 = arith.select %lt3A_33, %broadcast_in_dim3A_35, %select_n3A : vector<4096x128xi1>, vector<4096x128xi32>
    %min3A_37 = arith.minimumf %min3A, %add3A_32 : vector<4096x128xf32>
    %slice3A_38 = vector.extract_strided_slice %dot_general3A_13 {offsets = [0, 256], sizes = [4096, 128], strides = [1, 1]} : vector<4096x1024xf32> to vector<4096x128xf32>
    %add3A_39 = vector.broadcast %broadcast_in_dim3A : vector<4096x1xf32> to vector<4096x128xf32>
    %add3A_40 = arith.addf %add3A_39, %slice3A_38 : vector<4096x128xf32>
    %get3A_41 = arith.constant 2 : index
    %get3A_42 = arith.constant 0 : index
    %get3A_43 = vector.load %arg2[%get3A_41, %get3A_42] : memref<64x128xf32, #tpu.memory_space<vmem>>, vector<1x128xf32>
    %get3A_44 = vector.shape_cast %get3A_43 : vector<1x128xf32> to vector<128xf32>
    %broadcast_in_dim3A_45 = vector.shape_cast %get3A_44 : vector<128xf32> to vector<1x128xf32>
    %add3A_46 = vector.broadcast %broadcast_in_dim3A_45 : vector<1x128xf32> to vector<4096x128xf32>
    %add3A_47 = arith.addf %add3A_40, %add3A_46 : vector<4096x128xf32>
    %lt3A_48 = arith.cmpf olt, %add3A_47, %min3A_37 : vector<4096x128xf32>
    %jit3A_49 = arith.constant 2 : i32
    %broadcast_in_dim3A_50 = vector.broadcast %jit3A_49 : i32 to vector<4096x128xi32>
    %select_n3A_51 = arith.select %lt3A_48, %broadcast_in_dim3A_50, %select_n3A_36 : vector<4096x128xi1>, vector<4096x128xi32>
    %min3A_52 = arith.minimumf %min3A_37, %add3A_47 : vector<4096x128xf32>
    %slice3A_53 = vector.extract_strided_slice %dot_general3A_13 {offsets = [0, 384], sizes = [4096, 128], strides = [1, 1]} : vector<4096x1024xf32> to vector<4096x128xf32>
    %add3A_54 = vector.broadcast %broadcast_in_dim3A : vector<4096x1xf32> to vector<4096x128xf32>
    %add3A_55 = arith.addf %add3A_54, %slice3A_53 : vector<4096x128xf32>
    %get3A_56 = arith.constant 3 : index
    %get3A_57 = arith.constant 0 : index
    %get3A_58 = vector.load %arg2[%get3A_56, %get3A_57] : memref<64x128xf32, #tpu.memory_space<vmem>>, vector<1x128xf32>
    %get3A_59 = vector.shape_cast %get3A_58 : vector<1x128xf32> to vector<128xf32>
    %broadcast_in_dim3A_60 = vector.shape_cast %get3A_59 : vector<128xf32> to vector<1x128xf32>
    %add3A_61 = vector.broadcast %broadcast_in_dim3A_60 : vector<1x128xf32> to vector<4096x128xf32>
    %add3A_62 = arith.addf %add3A_55, %add3A_61 : vector<4096x128xf32>
    %lt3A_63 = arith.cmpf olt, %add3A_62, %min3A_52 : vector<4096x128xf32>
    %jit3A_64 = arith.constant 3 : i32
    %broadcast_in_dim3A_65 = vector.broadcast %jit3A_64 : i32 to vector<4096x128xi32>
    %select_n3A_66 = arith.select %lt3A_63, %broadcast_in_dim3A_65, %select_n3A_51 : vector<4096x128xi1>, vector<4096x128xi32>
    %min3A_67 = arith.minimumf %min3A_52, %add3A_62 : vector<4096x128xf32>
    %slice3A_68 = vector.extract_strided_slice %dot_general3A_13 {offsets = [0, 512], sizes = [4096, 128], strides = [1, 1]} : vector<4096x1024xf32> to vector<4096x128xf32>
    %add3A_69 = vector.broadcast %broadcast_in_dim3A : vector<4096x1xf32> to vector<4096x128xf32>
    %add3A_70 = arith.addf %add3A_69, %slice3A_68 : vector<4096x128xf32>
    %get3A_71 = arith.constant 4 : index
    %get3A_72 = arith.constant 0 : index
    %get3A_73 = vector.load %arg2[%get3A_71, %get3A_72] : memref<64x128xf32, #tpu.memory_space<vmem>>, vector<1x128xf32>
    %get3A_74 = vector.shape_cast %get3A_73 : vector<1x128xf32> to vector<128xf32>
    %broadcast_in_dim3A_75 = vector.shape_cast %get3A_74 : vector<128xf32> to vector<1x128xf32>
    %add3A_76 = vector.broadcast %broadcast_in_dim3A_75 : vector<1x128xf32> to vector<4096x128xf32>
    %add3A_77 = arith.addf %add3A_70, %add3A_76 : vector<4096x128xf32>
    %lt3A_78 = arith.cmpf olt, %add3A_77, %min3A_67 : vector<4096x128xf32>
    %jit3A_79 = arith.constant 4 : i32
    %broadcast_in_dim3A_80 = vector.broadcast %jit3A_79 : i32 to vector<4096x128xi32>
    %select_n3A_81 = arith.select %lt3A_78, %broadcast_in_dim3A_80, %select_n3A_66 : vector<4096x128xi1>, vector<4096x128xi32>
    %min3A_82 = arith.minimumf %min3A_67, %add3A_77 : vector<4096x128xf32>
    %slice3A_83 = vector.extract_strided_slice %dot_general3A_13 {offsets = [0, 640], sizes = [4096, 128], strides = [1, 1]} : vector<4096x1024xf32> to vector<4096x128xf32>
    %add3A_84 = vector.broadcast %broadcast_in_dim3A : vector<4096x1xf32> to vector<4096x128xf32>
    %add3A_85 = arith.addf %add3A_84, %slice3A_83 : vector<4096x128xf32>
    %get3A_86 = arith.constant 5 : index
    %get3A_87 = arith.constant 0 : index
    %get3A_88 = vector.load %arg2[%get3A_86, %get3A_87] : memref<64x128xf32, #tpu.memory_space<vmem>>, vector<1x128xf32>
    %get3A_89 = vector.shape_cast %get3A_88 : vector<1x128xf32> to vector<128xf32>
    %broadcast_in_dim3A_90 = vector.shape_cast %get3A_89 : vector<128xf32> to vector<1x128xf32>
    %add3A_91 = vector.broadcast %broadcast_in_dim3A_90 : vector<1x128xf32> to vector<4096x128xf32>
    %add3A_92 = arith.addf %add3A_85, %add3A_91 : vector<4096x128xf32>
    %lt3A_93 = arith.cmpf olt, %add3A_92, %min3A_82 : vector<4096x128xf32>
    %jit3A_94 = arith.constant 5 : i32
    %broadcast_in_dim3A_95 = vector.broadcast %jit3A_94 : i32 to vector<4096x128xi32>
    %select_n3A_96 = arith.select %lt3A_93, %broadcast_in_dim3A_95, %select_n3A_81 : vector<4096x128xi1>, vector<4096x128xi32>
    %min3A_97 = arith.minimumf %min3A_82, %add3A_92 : vector<4096x128xf32>
    %slice3A_98 = vector.extract_strided_slice %dot_general3A_13 {offsets = [0, 768], sizes = [4096, 128], strides = [1, 1]} : vector<4096x1024xf32> to vector<4096x128xf32>
    %add3A_99 = vector.broadcast %broadcast_in_dim3A : vector<4096x1xf32> to vector<4096x128xf32>
    %add3A_100 = arith.addf %add3A_99, %slice3A_98 : vector<4096x128xf32>
    %get3A_101 = arith.constant 6 : index
    %get3A_102 = arith.constant 0 : index
    %get3A_103 = vector.load %arg2[%get3A_101, %get3A_102] : memref<64x128xf32, #tpu.memory_space<vmem>>, vector<1x128xf32>
    %get3A_104 = vector.shape_cast %get3A_103 : vector<1x128xf32> to vector<128xf32>
    %broadcast_in_dim3A_105 = vector.shape_cast %get3A_104 : vector<128xf32> to vector<1x128xf32>
    %add3A_106 = vector.broadcast %broadcast_in_dim3A_105 : vector<1x128xf32> to vector<4096x128xf32>
    %add3A_107 = arith.addf %add3A_100, %add3A_106 : vector<4096x128xf32>
    %lt3A_108 = arith.cmpf olt, %add3A_107, %min3A_97 : vector<4096x128xf32>
    %jit3A_109 = arith.constant 6 : i32
    %broadcast_in_dim3A_110 = vector.broadcast %jit3A_109 : i32 to vector<4096x128xi32>
    %select_n3A_111 = arith.select %lt3A_108, %broadcast_in_dim3A_110, %select_n3A_96 : vector<4096x128xi1>, vector<4096x128xi32>
    %min3A_112 = arith.minimumf %min3A_97, %add3A_107 : vector<4096x128xf32>
    %slice3A_113 = vector.extract_strided_slice %dot_general3A_13 {offsets = [0, 896], sizes = [4096, 128], strides = [1, 1]} : vector<4096x1024xf32> to vector<4096x128xf32>
    %add3A_114 = vector.broadcast %broadcast_in_dim3A : vector<4096x1xf32> to vector<4096x128xf32>
    %add3A_115 = arith.addf %add3A_114, %slice3A_113 : vector<4096x128xf32>
    %get3A_116 = arith.constant 7 : index
    %get3A_117 = arith.constant 0 : index
    %get3A_118 = vector.load %arg2[%get3A_116, %get3A_117] : memref<64x128xf32, #tpu.memory_space<vmem>>, vector<1x128xf32>
    %get3A_119 = vector.shape_cast %get3A_118 : vector<1x128xf32> to vector<128xf32>
    %broadcast_in_dim3A_120 = vector.shape_cast %get3A_119 : vector<128xf32> to vector<1x128xf32>
    %add3A_121 = vector.broadcast %broadcast_in_dim3A_120 : vector<1x128xf32> to vector<4096x128xf32>
    %add3A_122 = arith.addf %add3A_115, %add3A_121 : vector<4096x128xf32>
    %lt3A_123 = arith.cmpf olt, %add3A_122, %min3A_112 : vector<4096x128xf32>
    %jit3A_124 = arith.constant 7 : i32
    %broadcast_in_dim3A_125 = vector.broadcast %jit3A_124 : i32 to vector<4096x128xi32>
    %select_n3A_126 = arith.select %lt3A_123, %broadcast_in_dim3A_125, %select_n3A_111 : vector<4096x128xi1>, vector<4096x128xi32>
    %min3A_127 = arith.minimumf %min3A_112, %add3A_122 : vector<4096x128xf32>
    %get3A_128 = arith.constant 1024 : index
    %get3A_129 = arith.constant 0 : index
    %get3A_130 = vector.load %arg3[%get3A_128, %get3A_129] : memref<8192x32xbf16, #tpu.memory_space<vmem>>, vector<1024x32xbf16>
    %dot_general3A_131 = arith.constant dense<0.000000e+00> : vector<4096x1024xf32>
    %dot_general3A_132 = tpu.matmul %convert_element_type3A, %get3A_130, %dot_general3A_131 {dimension_numbers = #tpu.dot_dimension_numbers<[1], [1], [0], [0], [0, 0, 1, 0], [], []>, transpose_lhs_hint = false} : vector<4096x32xbf16>, vector<1024x32xbf16>, vector<4096x1024xf32> -> vector<4096x1024xf32>
    %slice3A_133 = vector.extract_strided_slice %dot_general3A_132 {offsets = [0, 0], sizes = [4096, 128], strides = [1, 1]} : vector<4096x1024xf32> to vector<4096x128xf32>
    %add3A_134 = vector.broadcast %broadcast_in_dim3A : vector<4096x1xf32> to vector<4096x128xf32>
    %add3A_135 = arith.addf %add3A_134, %slice3A_133 : vector<4096x128xf32>
    %get3A_136 = arith.constant 8 : index
    %get3A_137 = arith.constant 0 : index
    %get3A_138 = vector.load %arg2[%get3A_136, %get3A_137] : memref<64x128xf32, #tpu.memory_space<vmem>>, vector<1x128xf32>
    %get3A_139 = vector.shape_cast %get3A_138 : vector<1x128xf32> to vector<128xf32>
    %broadcast_in_dim3A_140 = vector.shape_cast %get3A_139 : vector<128xf32> to vector<1x128xf32>
    %add3A_141 = vector.broadcast %broadcast_in_dim3A_140 : vector<1x128xf32> to vector<4096x128xf32>
    %add3A_142 = arith.addf %add3A_135, %add3A_141 : vector<4096x128xf32>
    %lt3A_143 = arith.cmpf olt, %add3A_142, %min3A_127 : vector<4096x128xf32>
    %jit3A_144 = arith.constant 8 : i32
    %broadcast_in_dim3A_145 = vector.broadcast %jit3A_144 : i32 to vector<4096x128xi32>
    %select_n3A_146 = arith.select %lt3A_143, %broadcast_in_dim3A_145, %select_n3A_126 : vector<4096x128xi1>, vector<4096x128xi32>
    %min3A_147 = arith.minimumf %min3A_127, %add3A_142 : vector<4096x128xf32>
    %slice3A_148 = vector.extract_strided_slice %dot_general3A_132 {offsets = [0, 128], sizes = [4096, 128], strides = [1, 1]} : vector<4096x1024xf32> to vector<4096x128xf32>
    %add3A_149 = vector.broadcast %broadcast_in_dim3A : vector<4096x1xf32> to vector<4096x128xf32>
    %add3A_150 = arith.addf %add3A_149, %slice3A_148 : vector<4096x128xf32>
    %get3A_151 = arith.constant 9 : index
    %get3A_152 = arith.constant 0 : index
    %get3A_153 = vector.load %arg2[%get3A_151, %get3A_152] : memref<64x128xf32, #tpu.memory_space<vmem>>, vector<1x128xf32>
    %get3A_154 = vector.shape_cast %get3A_153 : vector<1x128xf32> to vector<128xf32>
    %broadcast_in_dim3A_155 = vector.shape_cast %get3A_154 : vector<128xf32> to vector<1x128xf32>
    %add3A_156 = vector.broadcast %broadcast_in_dim3A_155 : vector<1x128xf32> to vector<4096x128xf32>
    %add3A_157 = arith.addf %add3A_150, %add3A_156 : vector<4096x128xf32>
    %lt3A_158 = arith.cmpf olt, %add3A_157, %min3A_147 : vector<4096x128xf32>
    %jit3A_159 = arith.constant 9 : i32
    %broadcast_in_dim3A_160 = vector.broadcast %jit3A_159 : i32 to vector<4096x128xi32>
    %select_n3A_161 = arith.select %lt3A_158, %broadcast_in_dim3A_160, %select_n3A_146 : vector<4096x128xi1>, vector<4096x128xi32>
    %min3A_162 = arith.minimumf %min3A_147, %add3A_157 : vector<4096x128xf32>
    %slice3A_163 = vector.extract_strided_slice %dot_general3A_132 {offsets = [0, 256], sizes = [4096, 128], strides = [1, 1]} : vector<4096x1024xf32> to vector<4096x128xf32>
    %add3A_164 = vector.broadcast %broadcast_in_dim3A : vector<4096x1xf32> to vector<4096x128xf32>
    %add3A_165 = arith.addf %add3A_164, %slice3A_163 : vector<4096x128xf32>
    %get3A_166 = arith.constant 10 : index
    %get3A_167 = arith.constant 0 : index
    %get3A_168 = vector.load %arg2[%get3A_166, %get3A_167] : memref<64x128xf32, #tpu.memory_space<vmem>>, vector<1x128xf32>
    %get3A_169 = vector.shape_cast %get3A_168 : vector<1x128xf32> to vector<128xf32>
    %broadcast_in_dim3A_170 = vector.shape_cast %get3A_169 : vector<128xf32> to vector<1x128xf32>
    %add3A_171 = vector.broadcast %broadcast_in_dim3A_170 : vector<1x128xf32> to vector<4096x128xf32>
    %add3A_172 = arith.addf %add3A_165, %add3A_171 : vector<4096x128xf32>
    %lt3A_173 = arith.cmpf olt, %add3A_172, %min3A_162 : vector<4096x128xf32>
    %jit3A_174 = arith.constant 10 : i32
    %broadcast_in_dim3A_175 = vector.broadcast %jit3A_174 : i32 to vector<4096x128xi32>
    %select_n3A_176 = arith.select %lt3A_173, %broadcast_in_dim3A_175, %select_n3A_161 : vector<4096x128xi1>, vector<4096x128xi32>
    %min3A_177 = arith.minimumf %min3A_162, %add3A_172 : vector<4096x128xf32>
    %slice3A_178 = vector.extract_strided_slice %dot_general3A_132 {offsets = [0, 384], sizes = [4096, 128], strides = [1, 1]} : vector<4096x1024xf32> to vector<4096x128xf32>
    %add3A_179 = vector.broadcast %broadcast_in_dim3A : vector<4096x1xf32> to vector<4096x128xf32>
    %add3A_180 = arith.addf %add3A_179, %slice3A_178 : vector<4096x128xf32>
    %get3A_181 = arith.constant 11 : index
    %get3A_182 = arith.constant 0 : index
    %get3A_183 = vector.load %arg2[%get3A_181, %get3A_182] : memref<64x128xf32, #tpu.memory_space<vmem>>, vector<1x128xf32>
    %get3A_184 = vector.shape_cast %get3A_183 : vector<1x128xf32> to vector<128xf32>
    %broadcast_in_dim3A_185 = vector.shape_cast %get3A_184 : vector<128xf32> to vector<1x128xf32>
    %add3A_186 = vector.broadcast %broadcast_in_dim3A_185 : vector<1x128xf32> to vector<4096x128xf32>
    %add3A_187 = arith.addf %add3A_180, %add3A_186 : vector<4096x128xf32>
    %lt3A_188 = arith.cmpf olt, %add3A_187, %min3A_177 : vector<4096x128xf32>
    %jit3A_189 = arith.constant 11 : i32
    %broadcast_in_dim3A_190 = vector.broadcast %jit3A_189 : i32 to vector<4096x128xi32>
    %select_n3A_191 = arith.select %lt3A_188, %broadcast_in_dim3A_190, %select_n3A_176 : vector<4096x128xi1>, vector<4096x128xi32>
    %min3A_192 = arith.minimumf %min3A_177, %add3A_187 : vector<4096x128xf32>
    %slice3A_193 = vector.extract_strided_slice %dot_general3A_132 {offsets = [0, 512], sizes = [4096, 128], strides = [1, 1]} : vector<4096x1024xf32> to vector<4096x128xf32>
    %add3A_194 = vector.broadcast %broadcast_in_dim3A : vector<4096x1xf32> to vector<4096x128xf32>
    %add3A_195 = arith.addf %add3A_194, %slice3A_193 : vector<4096x128xf32>
    %get3A_196 = arith.constant 12 : index
    %get3A_197 = arith.constant 0 : index
    %get3A_198 = vector.load %arg2[%get3A_196, %get3A_197] : memref<64x128xf32, #tpu.memory_space<vmem>>, vector<1x128xf32>
    %get3A_199 = vector.shape_cast %get3A_198 : vector<1x128xf32> to vector<128xf32>
    %broadcast_in_dim3A_200 = vector.shape_cast %get3A_199 : vector<128xf32> to vector<1x128xf32>
    %add3A_201 = vector.broadcast %broadcast_in_dim3A_200 : vector<1x128xf32> to vector<4096x128xf32>
    %add3A_202 = arith.addf %add3A_195, %add3A_201 : vector<4096x128xf32>
    %lt3A_203 = arith.cmpf olt, %add3A_202, %min3A_192 : vector<4096x128xf32>
    %jit3A_204 = arith.constant 12 : i32
    %broadcast_in_dim3A_205 = vector.broadcast %jit3A_204 : i32 to vector<4096x128xi32>
    %select_n3A_206 = arith.select %lt3A_203, %broadcast_in_dim3A_205, %select_n3A_191 : vector<4096x128xi1>, vector<4096x128xi32>
    %min3A_207 = arith.minimumf %min3A_192, %add3A_202 : vector<4096x128xf32>
    %slice3A_208 = vector.extract_strided_slice %dot_general3A_132 {offsets = [0, 640], sizes = [4096, 128], strides = [1, 1]} : vector<4096x1024xf32> to vector<4096x128xf32>
    %add3A_209 = vector.broadcast %broadcast_in_dim3A : vector<4096x1xf32> to vector<4096x128xf32>
    %add3A_210 = arith.addf %add3A_209, %slice3A_208 : vector<4096x128xf32>
    %get3A_211 = arith.constant 13 : index
    %get3A_212 = arith.constant 0 : index
    %get3A_213 = vector.load %arg2[%get3A_211, %get3A_212] : memref<64x128xf32, #tpu.memory_space<vmem>>, vector<1x128xf32>
    %get3A_214 = vector.shape_cast %get3A_213 : vector<1x128xf32> to vector<128xf32>
    %broadcast_in_dim3A_215 = vector.shape_cast %get3A_214 : vector<128xf32> to vector<1x128xf32>
    %add3A_216 = vector.broadcast %broadcast_in_dim3A_215 : vector<1x128xf32> to vector<4096x128xf32>
    %add3A_217 = arith.addf %add3A_210, %add3A_216 : vector<4096x128xf32>
    %lt3A_218 = arith.cmpf olt, %add3A_217, %min3A_207 : vector<4096x128xf32>
    %jit3A_219 = arith.constant 13 : i32
    %broadcast_in_dim3A_220 = vector.broadcast %jit3A_219 : i32 to vector<4096x128xi32>
    %select_n3A_221 = arith.select %lt3A_218, %broadcast_in_dim3A_220, %select_n3A_206 : vector<4096x128xi1>, vector<4096x128xi32>
    %min3A_222 = arith.minimumf %min3A_207, %add3A_217 : vector<4096x128xf32>
    %slice3A_223 = vector.extract_strided_slice %dot_general3A_132 {offsets = [0, 768], sizes = [4096, 128], strides = [1, 1]} : vector<4096x1024xf32> to vector<4096x128xf32>
    %add3A_224 = vector.broadcast %broadcast_in_dim3A : vector<4096x1xf32> to vector<4096x128xf32>
    %add3A_225 = arith.addf %add3A_224, %slice3A_223 : vector<4096x128xf32>
    %get3A_226 = arith.constant 14 : index
    %get3A_227 = arith.constant 0 : index
    %get3A_228 = vector.load %arg2[%get3A_226, %get3A_227] : memref<64x128xf32, #tpu.memory_space<vmem>>, vector<1x128xf32>
    %get3A_229 = vector.shape_cast %get3A_228 : vector<1x128xf32> to vector<128xf32>
    %broadcast_in_dim3A_230 = vector.shape_cast %get3A_229 : vector<128xf32> to vector<1x128xf32>
    %add3A_231 = vector.broadcast %broadcast_in_dim3A_230 : vector<1x128xf32> to vector<4096x128xf32>
    %add3A_232 = arith.addf %add3A_225, %add3A_231 : vector<4096x128xf32>
    %lt3A_233 = arith.cmpf olt, %add3A_232, %min3A_222 : vector<4096x128xf32>
    %jit3A_234 = arith.constant 14 : i32
    %broadcast_in_dim3A_235 = vector.broadcast %jit3A_234 : i32 to vector<4096x128xi32>
    %select_n3A_236 = arith.select %lt3A_233, %broadcast_in_dim3A_235, %select_n3A_221 : vector<4096x128xi1>, vector<4096x128xi32>
    %min3A_237 = arith.minimumf %min3A_222, %add3A_232 : vector<4096x128xf32>
    %slice3A_238 = vector.extract_strided_slice %dot_general3A_132 {offsets = [0, 896], sizes = [4096, 128], strides = [1, 1]} : vector<4096x1024xf32> to vector<4096x128xf32>
    %add3A_239 = vector.broadcast %broadcast_in_dim3A : vector<4096x1xf32> to vector<4096x128xf32>
    %add3A_240 = arith.addf %add3A_239, %slice3A_238 : vector<4096x128xf32>
    %get3A_241 = arith.constant 15 : index
    %get3A_242 = arith.constant 0 : index
    %get3A_243 = vector.load %arg2[%get3A_241, %get3A_242] : memref<64x128xf32, #tpu.memory_space<vmem>>, vector<1x128xf32>
    %get3A_244 = vector.shape_cast %get3A_243 : vector<1x128xf32> to vector<128xf32>
    %broadcast_in_dim3A_245 = vector.shape_cast %get3A_244 : vector<128xf32> to vector<1x128xf32>
    %add3A_246 = vector.broadcast %broadcast_in_dim3A_245 : vector<1x128xf32> to vector<4096x128xf32>
    %add3A_247 = arith.addf %add3A_240, %add3A_246 : vector<4096x128xf32>
    %lt3A_248 = arith.cmpf olt, %add3A_247, %min3A_237 : vector<4096x128xf32>
    %jit3A_249 = arith.constant 15 : i32
    %broadcast_in_dim3A_250 = vector.broadcast %jit3A_249 : i32 to vector<4096x128xi32>
    %select_n3A_251 = arith.select %lt3A_248, %broadcast_in_dim3A_250, %select_n3A_236 : vector<4096x128xi1>, vector<4096x128xi32>
    %min3A_252 = arith.minimumf %min3A_237, %add3A_247 : vector<4096x128xf32>
    %get3A_253 = arith.constant 2048 : index
    %get3A_254 = arith.constant 0 : index
    %get3A_255 = vector.load %arg3[%get3A_253, %get3A_254] : memref<8192x32xbf16, #tpu.memory_space<vmem>>, vector<1024x32xbf16>
    %dot_general3A_256 = arith.constant dense<0.000000e+00> : vector<4096x1024xf32>
    %dot_general3A_257 = tpu.matmul %convert_element_type3A, %get3A_255, %dot_general3A_256 {dimension_numbers = #tpu.dot_dimension_numbers<[1], [1], [0], [0], [0, 0, 1, 0], [], []>, transpose_lhs_hint = false} : vector<4096x32xbf16>, vector<1024x32xbf16>, vector<4096x1024xf32> -> vector<4096x1024xf32>
    %slice3A_258 = vector.extract_strided_slice %dot_general3A_257 {offsets = [0, 0], sizes = [4096, 128], strides = [1, 1]} : vector<4096x1024xf32> to vector<4096x128xf32>
    %add3A_259 = vector.broadcast %broadcast_in_dim3A : vector<4096x1xf32> to vector<4096x128xf32>
    %add3A_260 = arith.addf %add3A_259, %slice3A_258 : vector<4096x128xf32>
    %get3A_261 = arith.constant 16 : index
    %get3A_262 = arith.constant 0 : index
    %get3A_263 = vector.load %arg2[%get3A_261, %get3A_262] : memref<64x128xf32, #tpu.memory_space<vmem>>, vector<1x128xf32>
    %get3A_264 = vector.shape_cast %get3A_263 : vector<1x128xf32> to vector<128xf32>
    %broadcast_in_dim3A_265 = vector.shape_cast %get3A_264 : vector<128xf32> to vector<1x128xf32>
    %add3A_266 = vector.broadcast %broadcast_in_dim3A_265 : vector<1x128xf32> to vector<4096x128xf32>
    %add3A_267 = arith.addf %add3A_260, %add3A_266 : vector<4096x128xf32>
    %lt3A_268 = arith.cmpf olt, %add3A_267, %min3A_252 : vector<4096x128xf32>
    %jit3A_269 = arith.constant 16 : i32
    %broadcast_in_dim3A_270 = vector.broadcast %jit3A_269 : i32 to vector<4096x128xi32>
    %select_n3A_271 = arith.select %lt3A_268, %broadcast_in_dim3A_270, %select_n3A_251 : vector<4096x128xi1>, vector<4096x128xi32>
    %min3A_272 = arith.minimumf %min3A_252, %add3A_267 : vector<4096x128xf32>
    %slice3A_273 = vector.extract_strided_slice %dot_general3A_257 {offsets = [0, 128], sizes = [4096, 128], strides = [1, 1]} : vector<4096x1024xf32> to vector<4096x128xf32>
    %add3A_274 = vector.broadcast %broadcast_in_dim3A : vector<4096x1xf32> to vector<4096x128xf32>
    %add3A_275 = arith.addf %add3A_274, %slice3A_273 : vector<4096x128xf32>
    %get3A_276 = arith.constant 17 : index
    %get3A_277 = arith.constant 0 : index
    %get3A_278 = vector.load %arg2[%get3A_276, %get3A_277] : memref<64x128xf32, #tpu.memory_space<vmem>>, vector<1x128xf32>
    %get3A_279 = vector.shape_cast %get3A_278 : vector<1x128xf32> to vector<128xf32>
    %broadcast_in_dim3A_280 = vector.shape_cast %get3A_279 : vector<128xf32> to vector<1x128xf32>
    %add3A_281 = vector.broadcast %broadcast_in_dim3A_280 : vector<1x128xf32> to vector<4096x128xf32>
    %add3A_282 = arith.addf %add3A_275, %add3A_281 : vector<4096x128xf32>
    %lt3A_283 = arith.cmpf olt, %add3A_282, %min3A_272 : vector<4096x128xf32>
    %jit3A_284 = arith.constant 17 : i32
    %broadcast_in_dim3A_285 = vector.broadcast %jit3A_284 : i32 to vector<4096x128xi32>
    %select_n3A_286 = arith.select %lt3A_283, %broadcast_in_dim3A_285, %select_n3A_271 : vector<4096x128xi1>, vector<4096x128xi32>
    %min3A_287 = arith.minimumf %min3A_272, %add3A_282 : vector<4096x128xf32>
    %slice3A_288 = vector.extract_strided_slice %dot_general3A_257 {offsets = [0, 256], sizes = [4096, 128], strides = [1, 1]} : vector<4096x1024xf32> to vector<4096x128xf32>
    %add3A_289 = vector.broadcast %broadcast_in_dim3A : vector<4096x1xf32> to vector<4096x128xf32>
    %add3A_290 = arith.addf %add3A_289, %slice3A_288 : vector<4096x128xf32>
    %get3A_291 = arith.constant 18 : index
    %get3A_292 = arith.constant 0 : index
    %get3A_293 = vector.load %arg2[%get3A_291, %get3A_292] : memref<64x128xf32, #tpu.memory_space<vmem>>, vector<1x128xf32>
    %get3A_294 = vector.shape_cast %get3A_293 : vector<1x128xf32> to vector<128xf32>
    %broadcast_in_dim3A_295 = vector.shape_cast %get3A_294 : vector<128xf32> to vector<1x128xf32>
    %add3A_296 = vector.broadcast %broadcast_in_dim3A_295 : vector<1x128xf32> to vector<4096x128xf32>
    %add3A_297 = arith.addf %add3A_290, %add3A_296 : vector<4096x128xf32>
    %lt3A_298 = arith.cmpf olt, %add3A_297, %min3A_287 : vector<4096x128xf32>
    %jit3A_299 = arith.constant 18 : i32
    %broadcast_in_dim3A_300 = vector.broadcast %jit3A_299 : i32 to vector<4096x128xi32>
    %select_n3A_301 = arith.select %lt3A_298, %broadcast_in_dim3A_300, %select_n3A_286 : vector<4096x128xi1>, vector<4096x128xi32>
    %min3A_302 = arith.minimumf %min3A_287, %add3A_297 : vector<4096x128xf32>
    %slice3A_303 = vector.extract_strided_slice %dot_general3A_257 {offsets = [0, 384], sizes = [4096, 128], strides = [1, 1]} : vector<4096x1024xf32> to vector<4096x128xf32>
    %add3A_304 = vector.broadcast %broadcast_in_dim3A : vector<4096x1xf32> to vector<4096x128xf32>
    %add3A_305 = arith.addf %add3A_304, %slice3A_303 : vector<4096x128xf32>
    %get3A_306 = arith.constant 19 : index
    %get3A_307 = arith.constant 0 : index
    %get3A_308 = vector.load %arg2[%get3A_306, %get3A_307] : memref<64x128xf32, #tpu.memory_space<vmem>>, vector<1x128xf32>
    %get3A_309 = vector.shape_cast %get3A_308 : vector<1x128xf32> to vector<128xf32>
    %broadcast_in_dim3A_310 = vector.shape_cast %get3A_309 : vector<128xf32> to vector<1x128xf32>
    %add3A_311 = vector.broadcast %broadcast_in_dim3A_310 : vector<1x128xf32> to vector<4096x128xf32>
    %add3A_312 = arith.addf %add3A_305, %add3A_311 : vector<4096x128xf32>
    %lt3A_313 = arith.cmpf olt, %add3A_312, %min3A_302 : vector<4096x128xf32>
    %jit3A_314 = arith.constant 19 : i32
    %broadcast_in_dim3A_315 = vector.broadcast %jit3A_314 : i32 to vector<4096x128xi32>
    %select_n3A_316 = arith.select %lt3A_313, %broadcast_in_dim3A_315, %select_n3A_301 : vector<4096x128xi1>, vector<4096x128xi32>
    %min3A_317 = arith.minimumf %min3A_302, %add3A_312 : vector<4096x128xf32>
    %slice3A_318 = vector.extract_strided_slice %dot_general3A_257 {offsets = [0, 512], sizes = [4096, 128], strides = [1, 1]} : vector<4096x1024xf32> to vector<4096x128xf32>
    %add3A_319 = vector.broadcast %broadcast_in_dim3A : vector<4096x1xf32> to vector<4096x128xf32>
    %add3A_320 = arith.addf %add3A_319, %slice3A_318 : vector<4096x128xf32>
    %get3A_321 = arith.constant 20 : index
    %get3A_322 = arith.constant 0 : index
    %get3A_323 = vector.load %arg2[%get3A_321, %get3A_322] : memref<64x128xf32, #tpu.memory_space<vmem>>, vector<1x128xf32>
    %get3A_324 = vector.shape_cast %get3A_323 : vector<1x128xf32> to vector<128xf32>
    %broadcast_in_dim3A_325 = vector.shape_cast %get3A_324 : vector<128xf32> to vector<1x128xf32>
    %add3A_326 = vector.broadcast %broadcast_in_dim3A_325 : vector<1x128xf32> to vector<4096x128xf32>
    %add3A_327 = arith.addf %add3A_320, %add3A_326 : vector<4096x128xf32>
    %lt3A_328 = arith.cmpf olt, %add3A_327, %min3A_317 : vector<4096x128xf32>
    %jit3A_329 = arith.constant 20 : i32
    %broadcast_in_dim3A_330 = vector.broadcast %jit3A_329 : i32 to vector<4096x128xi32>
    %select_n3A_331 = arith.select %lt3A_328, %broadcast_in_dim3A_330, %select_n3A_316 : vector<4096x128xi1>, vector<4096x128xi32>
    %min3A_332 = arith.minimumf %min3A_317, %add3A_327 : vector<4096x128xf32>
    %slice3A_333 = vector.extract_strided_slice %dot_general3A_257 {offsets = [0, 640], sizes = [4096, 128], strides = [1, 1]} : vector<4096x1024xf32> to vector<4096x128xf32>
    %add3A_334 = vector.broadcast %broadcast_in_dim3A : vector<4096x1xf32> to vector<4096x128xf32>
    %add3A_335 = arith.addf %add3A_334, %slice3A_333 : vector<4096x128xf32>
    %get3A_336 = arith.constant 21 : index
    %get3A_337 = arith.constant 0 : index
    %get3A_338 = vector.load %arg2[%get3A_336, %get3A_337] : memref<64x128xf32, #tpu.memory_space<vmem>>, vector<1x128xf32>
    %get3A_339 = vector.shape_cast %get3A_338 : vector<1x128xf32> to vector<128xf32>
    %broadcast_in_dim3A_340 = vector.shape_cast %get3A_339 : vector<128xf32> to vector<1x128xf32>
    %add3A_341 = vector.broadcast %broadcast_in_dim3A_340 : vector<1x128xf32> to vector<4096x128xf32>
    %add3A_342 = arith.addf %add3A_335, %add3A_341 : vector<4096x128xf32>
    %lt3A_343 = arith.cmpf olt, %add3A_342, %min3A_332 : vector<4096x128xf32>
    %jit3A_344 = arith.constant 21 : i32
    %broadcast_in_dim3A_345 = vector.broadcast %jit3A_344 : i32 to vector<4096x128xi32>
    %select_n3A_346 = arith.select %lt3A_343, %broadcast_in_dim3A_345, %select_n3A_331 : vector<4096x128xi1>, vector<4096x128xi32>
    %min3A_347 = arith.minimumf %min3A_332, %add3A_342 : vector<4096x128xf32>
    %slice3A_348 = vector.extract_strided_slice %dot_general3A_257 {offsets = [0, 768], sizes = [4096, 128], strides = [1, 1]} : vector<4096x1024xf32> to vector<4096x128xf32>
    %add3A_349 = vector.broadcast %broadcast_in_dim3A : vector<4096x1xf32> to vector<4096x128xf32>
    %add3A_350 = arith.addf %add3A_349, %slice3A_348 : vector<4096x128xf32>
    %get3A_351 = arith.constant 22 : index
    %get3A_352 = arith.constant 0 : index
    %get3A_353 = vector.load %arg2[%get3A_351, %get3A_352] : memref<64x128xf32, #tpu.memory_space<vmem>>, vector<1x128xf32>
    %get3A_354 = vector.shape_cast %get3A_353 : vector<1x128xf32> to vector<128xf32>
    %broadcast_in_dim3A_355 = vector.shape_cast %get3A_354 : vector<128xf32> to vector<1x128xf32>
    %add3A_356 = vector.broadcast %broadcast_in_dim3A_355 : vector<1x128xf32> to vector<4096x128xf32>
    %add3A_357 = arith.addf %add3A_350, %add3A_356 : vector<4096x128xf32>
    %lt3A_358 = arith.cmpf olt, %add3A_357, %min3A_347 : vector<4096x128xf32>
    %jit3A_359 = arith.constant 22 : i32
    %broadcast_in_dim3A_360 = vector.broadcast %jit3A_359 : i32 to vector<4096x128xi32>
    %select_n3A_361 = arith.select %lt3A_358, %broadcast_in_dim3A_360, %select_n3A_346 : vector<4096x128xi1>, vector<4096x128xi32>
    %min3A_362 = arith.minimumf %min3A_347, %add3A_357 : vector<4096x128xf32>
    %slice3A_363 = vector.extract_strided_slice %dot_general3A_257 {offsets = [0, 896], sizes = [4096, 128], strides = [1, 1]} : vector<4096x1024xf32> to vector<4096x128xf32>
    %add3A_364 = vector.broadcast %broadcast_in_dim3A : vector<4096x1xf32> to vector<4096x128xf32>
    %add3A_365 = arith.addf %add3A_364, %slice3A_363 : vector<4096x128xf32>
    %get3A_366 = arith.constant 23 : index
    %get3A_367 = arith.constant 0 : index
    %get3A_368 = vector.load %arg2[%get3A_366, %get3A_367] : memref<64x128xf32, #tpu.memory_space<vmem>>, vector<1x128xf32>
    %get3A_369 = vector.shape_cast %get3A_368 : vector<1x128xf32> to vector<128xf32>
    %broadcast_in_dim3A_370 = vector.shape_cast %get3A_369 : vector<128xf32> to vector<1x128xf32>
    %add3A_371 = vector.broadcast %broadcast_in_dim3A_370 : vector<1x128xf32> to vector<4096x128xf32>
    %add3A_372 = arith.addf %add3A_365, %add3A_371 : vector<4096x128xf32>
    %lt3A_373 = arith.cmpf olt, %add3A_372, %min3A_362 : vector<4096x128xf32>
    %jit3A_374 = arith.constant 23 : i32
    %broadcast_in_dim3A_375 = vector.broadcast %jit3A_374 : i32 to vector<4096x128xi32>
    %select_n3A_376 = arith.select %lt3A_373, %broadcast_in_dim3A_375, %select_n3A_361 : vector<4096x128xi1>, vector<4096x128xi32>
    %min3A_377 = arith.minimumf %min3A_362, %add3A_372 : vector<4096x128xf32>
    %get3A_378 = arith.constant 3072 : index
    %get3A_379 = arith.constant 0 : index
    %get3A_380 = vector.load %arg3[%get3A_378, %get3A_379] : memref<8192x32xbf16, #tpu.memory_space<vmem>>, vector<1024x32xbf16>
    %dot_general3A_381 = arith.constant dense<0.000000e+00> : vector<4096x1024xf32>
    %dot_general3A_382 = tpu.matmul %convert_element_type3A, %get3A_380, %dot_general3A_381 {dimension_numbers = #tpu.dot_dimension_numbers<[1], [1], [0], [0], [0, 0, 1, 0], [], []>, transpose_lhs_hint = false} : vector<4096x32xbf16>, vector<1024x32xbf16>, vector<4096x1024xf32> -> vector<4096x1024xf32>
    %slice3A_383 = vector.extract_strided_slice %dot_general3A_382 {offsets = [0, 0], sizes = [4096, 128], strides = [1, 1]} : vector<4096x1024xf32> to vector<4096x128xf32>
    %add3A_384 = vector.broadcast %broadcast_in_dim3A : vector<4096x1xf32> to vector<4096x128xf32>
    %add3A_385 = arith.addf %add3A_384, %slice3A_383 : vector<4096x128xf32>
    %get3A_386 = arith.constant 24 : index
    %get3A_387 = arith.constant 0 : index
    %get3A_388 = vector.load %arg2[%get3A_386, %get3A_387] : memref<64x128xf32, #tpu.memory_space<vmem>>, vector<1x128xf32>
    %get3A_389 = vector.shape_cast %get3A_388 : vector<1x128xf32> to vector<128xf32>
    %broadcast_in_dim3A_390 = vector.shape_cast %get3A_389 : vector<128xf32> to vector<1x128xf32>
    %add3A_391 = vector.broadcast %broadcast_in_dim3A_390 : vector<1x128xf32> to vector<4096x128xf32>
    %add3A_392 = arith.addf %add3A_385, %add3A_391 : vector<4096x128xf32>
    %lt3A_393 = arith.cmpf olt, %add3A_392, %min3A_377 : vector<4096x128xf32>
    %jit3A_394 = arith.constant 24 : i32
    %broadcast_in_dim3A_395 = vector.broadcast %jit3A_394 : i32 to vector<4096x128xi32>
    %select_n3A_396 = arith.select %lt3A_393, %broadcast_in_dim3A_395, %select_n3A_376 : vector<4096x128xi1>, vector<4096x128xi32>
    %min3A_397 = arith.minimumf %min3A_377, %add3A_392 : vector<4096x128xf32>
    %slice3A_398 = vector.extract_strided_slice %dot_general3A_382 {offsets = [0, 128], sizes = [4096, 128], strides = [1, 1]} : vector<4096x1024xf32> to vector<4096x128xf32>
    %add3A_399 = vector.broadcast %broadcast_in_dim3A : vector<4096x1xf32> to vector<4096x128xf32>
    %add3A_400 = arith.addf %add3A_399, %slice3A_398 : vector<4096x128xf32>
    %get3A_401 = arith.constant 25 : index
    %get3A_402 = arith.constant 0 : index
    %get3A_403 = vector.load %arg2[%get3A_401, %get3A_402] : memref<64x128xf32, #tpu.memory_space<vmem>>, vector<1x128xf32>
    %get3A_404 = vector.shape_cast %get3A_403 : vector<1x128xf32> to vector<128xf32>
    %broadcast_in_dim3A_405 = vector.shape_cast %get3A_404 : vector<128xf32> to vector<1x128xf32>
    %add3A_406 = vector.broadcast %broadcast_in_dim3A_405 : vector<1x128xf32> to vector<4096x128xf32>
    %add3A_407 = arith.addf %add3A_400, %add3A_406 : vector<4096x128xf32>
    %lt3A_408 = arith.cmpf olt, %add3A_407, %min3A_397 : vector<4096x128xf32>
    %jit3A_409 = arith.constant 25 : i32
    %broadcast_in_dim3A_410 = vector.broadcast %jit3A_409 : i32 to vector<4096x128xi32>
    %select_n3A_411 = arith.select %lt3A_408, %broadcast_in_dim3A_410, %select_n3A_396 : vector<4096x128xi1>, vector<4096x128xi32>
    %min3A_412 = arith.minimumf %min3A_397, %add3A_407 : vector<4096x128xf32>
    %slice3A_413 = vector.extract_strided_slice %dot_general3A_382 {offsets = [0, 256], sizes = [4096, 128], strides = [1, 1]} : vector<4096x1024xf32> to vector<4096x128xf32>
    %add3A_414 = vector.broadcast %broadcast_in_dim3A : vector<4096x1xf32> to vector<4096x128xf32>
    %add3A_415 = arith.addf %add3A_414, %slice3A_413 : vector<4096x128xf32>
    %get3A_416 = arith.constant 26 : index
    %get3A_417 = arith.constant 0 : index
    %get3A_418 = vector.load %arg2[%get3A_416, %get3A_417] : memref<64x128xf32, #tpu.memory_space<vmem>>, vector<1x128xf32>
    %get3A_419 = vector.shape_cast %get3A_418 : vector<1x128xf32> to vector<128xf32>
    %broadcast_in_dim3A_420 = vector.shape_cast %get3A_419 : vector<128xf32> to vector<1x128xf32>
    %add3A_421 = vector.broadcast %broadcast_in_dim3A_420 : vector<1x128xf32> to vector<4096x128xf32>
    %add3A_422 = arith.addf %add3A_415, %add3A_421 : vector<4096x128xf32>
    %lt3A_423 = arith.cmpf olt, %add3A_422, %min3A_412 : vector<4096x128xf32>
    %jit3A_424 = arith.constant 26 : i32
    %broadcast_in_dim3A_425 = vector.broadcast %jit3A_424 : i32 to vector<4096x128xi32>
    %select_n3A_426 = arith.select %lt3A_423, %broadcast_in_dim3A_425, %select_n3A_411 : vector<4096x128xi1>, vector<4096x128xi32>
    %min3A_427 = arith.minimumf %min3A_412, %add3A_422 : vector<4096x128xf32>
    %slice3A_428 = vector.extract_strided_slice %dot_general3A_382 {offsets = [0, 384], sizes = [4096, 128], strides = [1, 1]} : vector<4096x1024xf32> to vector<4096x128xf32>
    %add3A_429 = vector.broadcast %broadcast_in_dim3A : vector<4096x1xf32> to vector<4096x128xf32>
    %add3A_430 = arith.addf %add3A_429, %slice3A_428 : vector<4096x128xf32>
    %get3A_431 = arith.constant 27 : index
    %get3A_432 = arith.constant 0 : index
    %get3A_433 = vector.load %arg2[%get3A_431, %get3A_432] : memref<64x128xf32, #tpu.memory_space<vmem>>, vector<1x128xf32>
    %get3A_434 = vector.shape_cast %get3A_433 : vector<1x128xf32> to vector<128xf32>
    %broadcast_in_dim3A_435 = vector.shape_cast %get3A_434 : vector<128xf32> to vector<1x128xf32>
    %add3A_436 = vector.broadcast %broadcast_in_dim3A_435 : vector<1x128xf32> to vector<4096x128xf32>
    %add3A_437 = arith.addf %add3A_430, %add3A_436 : vector<4096x128xf32>
    %lt3A_438 = arith.cmpf olt, %add3A_437, %min3A_427 : vector<4096x128xf32>
    %jit3A_439 = arith.constant 27 : i32
    %broadcast_in_dim3A_440 = vector.broadcast %jit3A_439 : i32 to vector<4096x128xi32>
    %select_n3A_441 = arith.select %lt3A_438, %broadcast_in_dim3A_440, %select_n3A_426 : vector<4096x128xi1>, vector<4096x128xi32>
    %min3A_442 = arith.minimumf %min3A_427, %add3A_437 : vector<4096x128xf32>
    %slice3A_443 = vector.extract_strided_slice %dot_general3A_382 {offsets = [0, 512], sizes = [4096, 128], strides = [1, 1]} : vector<4096x1024xf32> to vector<4096x128xf32>
    %add3A_444 = vector.broadcast %broadcast_in_dim3A : vector<4096x1xf32> to vector<4096x128xf32>
    %add3A_445 = arith.addf %add3A_444, %slice3A_443 : vector<4096x128xf32>
    %get3A_446 = arith.constant 28 : index
    %get3A_447 = arith.constant 0 : index
    %get3A_448 = vector.load %arg2[%get3A_446, %get3A_447] : memref<64x128xf32, #tpu.memory_space<vmem>>, vector<1x128xf32>
    %get3A_449 = vector.shape_cast %get3A_448 : vector<1x128xf32> to vector<128xf32>
    %broadcast_in_dim3A_450 = vector.shape_cast %get3A_449 : vector<128xf32> to vector<1x128xf32>
    %add3A_451 = vector.broadcast %broadcast_in_dim3A_450 : vector<1x128xf32> to vector<4096x128xf32>
    %add3A_452 = arith.addf %add3A_445, %add3A_451 : vector<4096x128xf32>
    %lt3A_453 = arith.cmpf olt, %add3A_452, %min3A_442 : vector<4096x128xf32>
    %jit3A_454 = arith.constant 28 : i32
    %broadcast_in_dim3A_455 = vector.broadcast %jit3A_454 : i32 to vector<4096x128xi32>
    %select_n3A_456 = arith.select %lt3A_453, %broadcast_in_dim3A_455, %select_n3A_441 : vector<4096x128xi1>, vector<4096x128xi32>
    %min3A_457 = arith.minimumf %min3A_442, %add3A_452 : vector<4096x128xf32>
    %slice3A_458 = vector.extract_strided_slice %dot_general3A_382 {offsets = [0, 640], sizes = [4096, 128], strides = [1, 1]} : vector<4096x1024xf32> to vector<4096x128xf32>
    %add3A_459 = vector.broadcast %broadcast_in_dim3A : vector<4096x1xf32> to vector<4096x128xf32>
    %add3A_460 = arith.addf %add3A_459, %slice3A_458 : vector<4096x128xf32>
    %get3A_461 = arith.constant 29 : index
    %get3A_462 = arith.constant 0 : index
    %get3A_463 = vector.load %arg2[%get3A_461, %get3A_462] : memref<64x128xf32, #tpu.memory_space<vmem>>, vector<1x128xf32>
    %get3A_464 = vector.shape_cast %get3A_463 : vector<1x128xf32> to vector<128xf32>
    %broadcast_in_dim3A_465 = vector.shape_cast %get3A_464 : vector<128xf32> to vector<1x128xf32>
    %add3A_466 = vector.broadcast %broadcast_in_dim3A_465 : vector<1x128xf32> to vector<4096x128xf32>
    %add3A_467 = arith.addf %add3A_460, %add3A_466 : vector<4096x128xf32>
    %lt3A_468 = arith.cmpf olt, %add3A_467, %min3A_457 : vector<4096x128xf32>
    %jit3A_469 = arith.constant 29 : i32
    %broadcast_in_dim3A_470 = vector.broadcast %jit3A_469 : i32 to vector<4096x128xi32>
    %select_n3A_471 = arith.select %lt3A_468, %broadcast_in_dim3A_470, %select_n3A_456 : vector<4096x128xi1>, vector<4096x128xi32>
    %min3A_472 = arith.minimumf %min3A_457, %add3A_467 : vector<4096x128xf32>
    %slice3A_473 = vector.extract_strided_slice %dot_general3A_382 {offsets = [0, 768], sizes = [4096, 128], strides = [1, 1]} : vector<4096x1024xf32> to vector<4096x128xf32>
    %add3A_474 = vector.broadcast %broadcast_in_dim3A : vector<4096x1xf32> to vector<4096x128xf32>
    %add3A_475 = arith.addf %add3A_474, %slice3A_473 : vector<4096x128xf32>
    %get3A_476 = arith.constant 30 : index
    %get3A_477 = arith.constant 0 : index
    %get3A_478 = vector.load %arg2[%get3A_476, %get3A_477] : memref<64x128xf32, #tpu.memory_space<vmem>>, vector<1x128xf32>
    %get3A_479 = vector.shape_cast %get3A_478 : vector<1x128xf32> to vector<128xf32>
    %broadcast_in_dim3A_480 = vector.shape_cast %get3A_479 : vector<128xf32> to vector<1x128xf32>
    %add3A_481 = vector.broadcast %broadcast_in_dim3A_480 : vector<1x128xf32> to vector<4096x128xf32>
    %add3A_482 = arith.addf %add3A_475, %add3A_481 : vector<4096x128xf32>
    %lt3A_483 = arith.cmpf olt, %add3A_482, %min3A_472 : vector<4096x128xf32>
    %jit3A_484 = arith.constant 30 : i32
    %broadcast_in_dim3A_485 = vector.broadcast %jit3A_484 : i32 to vector<4096x128xi32>
    %select_n3A_486 = arith.select %lt3A_483, %broadcast_in_dim3A_485, %select_n3A_471 : vector<4096x128xi1>, vector<4096x128xi32>
    %min3A_487 = arith.minimumf %min3A_472, %add3A_482 : vector<4096x128xf32>
    %slice3A_488 = vector.extract_strided_slice %dot_general3A_382 {offsets = [0, 896], sizes = [4096, 128], strides = [1, 1]} : vector<4096x1024xf32> to vector<4096x128xf32>
    %add3A_489 = vector.broadcast %broadcast_in_dim3A : vector<4096x1xf32> to vector<4096x128xf32>
    %add3A_490 = arith.addf %add3A_489, %slice3A_488 : vector<4096x128xf32>
    %get3A_491 = arith.constant 31 : index
    %get3A_492 = arith.constant 0 : index
    %get3A_493 = vector.load %arg2[%get3A_491, %get3A_492] : memref<64x128xf32, #tpu.memory_space<vmem>>, vector<1x128xf32>
    %get3A_494 = vector.shape_cast %get3A_493 : vector<1x128xf32> to vector<128xf32>
    %broadcast_in_dim3A_495 = vector.shape_cast %get3A_494 : vector<128xf32> to vector<1x128xf32>
    %add3A_496 = vector.broadcast %broadcast_in_dim3A_495 : vector<1x128xf32> to vector<4096x128xf32>
    %add3A_497 = arith.addf %add3A_490, %add3A_496 : vector<4096x128xf32>
    %lt3A_498 = arith.cmpf olt, %add3A_497, %min3A_487 : vector<4096x128xf32>
    %jit3A_499 = arith.constant 31 : i32
    %broadcast_in_dim3A_500 = vector.broadcast %jit3A_499 : i32 to vector<4096x128xi32>
    %select_n3A_501 = arith.select %lt3A_498, %broadcast_in_dim3A_500, %select_n3A_486 : vector<4096x128xi1>, vector<4096x128xi32>
    %min3A_502 = arith.minimumf %min3A_487, %add3A_497 : vector<4096x128xf32>
    %reduce_min3A = arith.constant dense<0x7F800000> : vector<4096xf32>
    %reduce_min3A_503 = vector.multi_reduction <minimumf>, %min3A_502, %reduce_min3A [1] : vector<4096x128xf32> to vector<4096xf32>
    %broadcast_in_dim3A_504 = vector.shape_cast %reduce_min3A_503 : vector<4096xf32> to vector<4096x1xf32>
    %eq3A = vector.broadcast %broadcast_in_dim3A_504 : vector<4096x1xf32> to vector<4096x128xf32>
    %eq3A_505 = arith.cmpf oeq, %min3A_502, %eq3A : vector<4096x128xf32>
    %mul3A_506 = arith.constant 128 : i32
    %mul3A_507 = vector.broadcast %mul3A_506 : i32 to vector<4096x128xi32>
    %mul3A_508 = arith.muli %select_n3A_501, %mul3A_507 : vector<4096x128xi32>
    %add3A_509 = arith.addi %mul3A_508, %iota3A : vector<4096x128xi32>
    %jit3A_510 = arith.constant 8192 : i32
    %broadcast_in_dim3A_511 = vector.broadcast %jit3A_510 : i32 to vector<4096x128xi32>
    %select_n3A_512 = arith.select %eq3A_505, %add3A_509, %broadcast_in_dim3A_511 : vector<4096x128xi1>, vector<4096x128xi32>
    %reduce_min3A_513 = arith.constant dense<2147483647> : vector<4096xi32>
    %reduce_min3A_514 = vector.multi_reduction <minsi>, %select_n3A_512, %reduce_min3A_513 [1] : vector<4096x128xi32> to vector<4096xi32>
    %broadcast_in_dim3A_515 = arith.constant 0x7F800000 : f32
    %broadcast_in_dim3A_516 = vector.broadcast %broadcast_in_dim3A_515 : f32 to vector<4096x128xf32>
    %broadcast_in_dim3A_517 = arith.constant 0 : i32
    %broadcast_in_dim3A_518 = vector.broadcast %broadcast_in_dim3A_517 : i32 to vector<4096x128xi32>
    %get3A_519 = arith.constant 4096 : index
    %get3A_520 = arith.constant 0 : index
    %get3A_521 = vector.load %arg3[%get3A_519, %get3A_520] : memref<8192x32xbf16, #tpu.memory_space<vmem>>, vector<1024x32xbf16>
    %dot_general3A_522 = arith.constant dense<0.000000e+00> : vector<4096x1024xf32>
    %dot_general3A_523 = tpu.matmul %convert_element_type3A, %get3A_521, %dot_general3A_522 {dimension_numbers = #tpu.dot_dimension_numbers<[1], [1], [0], [0], [0, 0, 1, 0], [], []>, transpose_lhs_hint = false} : vector<4096x32xbf16>, vector<1024x32xbf16>, vector<4096x1024xf32> -> vector<4096x1024xf32>
    %slice3A_524 = vector.extract_strided_slice %dot_general3A_523 {offsets = [0, 0], sizes = [4096, 128], strides = [1, 1]} : vector<4096x1024xf32> to vector<4096x128xf32>
    %add3A_525 = vector.broadcast %broadcast_in_dim3A : vector<4096x1xf32> to vector<4096x128xf32>
    %add3A_526 = arith.addf %add3A_525, %slice3A_524 : vector<4096x128xf32>
    %get3A_527 = arith.constant 32 : index
    %get3A_528 = arith.constant 0 : index
    %get3A_529 = vector.load %arg2[%get3A_527, %get3A_528] : memref<64x128xf32, #tpu.memory_space<vmem>>, vector<1x128xf32>
    %get3A_530 = vector.shape_cast %get3A_529 : vector<1x128xf32> to vector<128xf32>
    %broadcast_in_dim3A_531 = vector.shape_cast %get3A_530 : vector<128xf32> to vector<1x128xf32>
    %add3A_532 = vector.broadcast %broadcast_in_dim3A_531 : vector<1x128xf32> to vector<4096x128xf32>
    %add3A_533 = arith.addf %add3A_526, %add3A_532 : vector<4096x128xf32>
    %lt3A_534 = arith.cmpf olt, %add3A_533, %broadcast_in_dim3A_516 : vector<4096x128xf32>
    %jit3A_535 = arith.constant 0 : i32
    %broadcast_in_dim3A_536 = vector.broadcast %jit3A_535 : i32 to vector<4096x128xi32>
    %select_n3A_537 = arith.select %lt3A_534, %broadcast_in_dim3A_536, %broadcast_in_dim3A_518 : vector<4096x128xi1>, vector<4096x128xi32>
    %min3A_538 = arith.minimumf %broadcast_in_dim3A_516, %add3A_533 : vector<4096x128xf32>
    %slice3A_539 = vector.extract_strided_slice %dot_general3A_523 {offsets = [0, 128], sizes = [4096, 128], strides = [1, 1]} : vector<4096x1024xf32> to vector<4096x128xf32>
    %add3A_540 = vector.broadcast %broadcast_in_dim3A : vector<4096x1xf32> to vector<4096x128xf32>
    %add3A_541 = arith.addf %add3A_540, %slice3A_539 : vector<4096x128xf32>
    %get3A_542 = arith.constant 33 : index
    %get3A_543 = arith.constant 0 : index
    %get3A_544 = vector.load %arg2[%get3A_542, %get3A_543] : memref<64x128xf32, #tpu.memory_space<vmem>>, vector<1x128xf32>
    %get3A_545 = vector.shape_cast %get3A_544 : vector<1x128xf32> to vector<128xf32>
    %broadcast_in_dim3A_546 = vector.shape_cast %get3A_545 : vector<128xf32> to vector<1x128xf32>
    %add3A_547 = vector.broadcast %broadcast_in_dim3A_546 : vector<1x128xf32> to vector<4096x128xf32>
    %add3A_548 = arith.addf %add3A_541, %add3A_547 : vector<4096x128xf32>
    %lt3A_549 = arith.cmpf olt, %add3A_548, %min3A_538 : vector<4096x128xf32>
    %jit3A_550 = arith.constant 1 : i32
    %broadcast_in_dim3A_551 = vector.broadcast %jit3A_550 : i32 to vector<4096x128xi32>
    %select_n3A_552 = arith.select %lt3A_549, %broadcast_in_dim3A_551, %select_n3A_537 : vector<4096x128xi1>, vector<4096x128xi32>
    %min3A_553 = arith.minimumf %min3A_538, %add3A_548 : vector<4096x128xf32>
    %slice3A_554 = vector.extract_strided_slice %dot_general3A_523 {offsets = [0, 256], sizes = [4096, 128], strides = [1, 1]} : vector<4096x1024xf32> to vector<4096x128xf32>
    %add3A_555 = vector.broadcast %broadcast_in_dim3A : vector<4096x1xf32> to vector<4096x128xf32>
    %add3A_556 = arith.addf %add3A_555, %slice3A_554 : vector<4096x128xf32>
    %get3A_557 = arith.constant 34 : index
    %get3A_558 = arith.constant 0 : index
    %get3A_559 = vector.load %arg2[%get3A_557, %get3A_558] : memref<64x128xf32, #tpu.memory_space<vmem>>, vector<1x128xf32>
    %get3A_560 = vector.shape_cast %get3A_559 : vector<1x128xf32> to vector<128xf32>
    %broadcast_in_dim3A_561 = vector.shape_cast %get3A_560 : vector<128xf32> to vector<1x128xf32>
    %add3A_562 = vector.broadcast %broadcast_in_dim3A_561 : vector<1x128xf32> to vector<4096x128xf32>
    %add3A_563 = arith.addf %add3A_556, %add3A_562 : vector<4096x128xf32>
    %lt3A_564 = arith.cmpf olt, %add3A_563, %min3A_553 : vector<4096x128xf32>
    %jit3A_565 = arith.constant 2 : i32
    %broadcast_in_dim3A_566 = vector.broadcast %jit3A_565 : i32 to vector<4096x128xi32>
    %select_n3A_567 = arith.select %lt3A_564, %broadcast_in_dim3A_566, %select_n3A_552 : vector<4096x128xi1>, vector<4096x128xi32>
    %min3A_568 = arith.minimumf %min3A_553, %add3A_563 : vector<4096x128xf32>
    %slice3A_569 = vector.extract_strided_slice %dot_general3A_523 {offsets = [0, 384], sizes = [4096, 128], strides = [1, 1]} : vector<4096x1024xf32> to vector<4096x128xf32>
    %add3A_570 = vector.broadcast %broadcast_in_dim3A : vector<4096x1xf32> to vector<4096x128xf32>
    %add3A_571 = arith.addf %add3A_570, %slice3A_569 : vector<4096x128xf32>
    %get3A_572 = arith.constant 35 : index
    %get3A_573 = arith.constant 0 : index
    %get3A_574 = vector.load %arg2[%get3A_572, %get3A_573] : memref<64x128xf32, #tpu.memory_space<vmem>>, vector<1x128xf32>
    %get3A_575 = vector.shape_cast %get3A_574 : vector<1x128xf32> to vector<128xf32>
    %broadcast_in_dim3A_576 = vector.shape_cast %get3A_575 : vector<128xf32> to vector<1x128xf32>
    %add3A_577 = vector.broadcast %broadcast_in_dim3A_576 : vector<1x128xf32> to vector<4096x128xf32>
    %add3A_578 = arith.addf %add3A_571, %add3A_577 : vector<4096x128xf32>
    %lt3A_579 = arith.cmpf olt, %add3A_578, %min3A_568 : vector<4096x128xf32>
    %jit3A_580 = arith.constant 3 : i32
    %broadcast_in_dim3A_581 = vector.broadcast %jit3A_580 : i32 to vector<4096x128xi32>
    %select_n3A_582 = arith.select %lt3A_579, %broadcast_in_dim3A_581, %select_n3A_567 : vector<4096x128xi1>, vector<4096x128xi32>
    %min3A_583 = arith.minimumf %min3A_568, %add3A_578 : vector<4096x128xf32>
    %slice3A_584 = vector.extract_strided_slice %dot_general3A_523 {offsets = [0, 512], sizes = [4096, 128], strides = [1, 1]} : vector<4096x1024xf32> to vector<4096x128xf32>
    %add3A_585 = vector.broadcast %broadcast_in_dim3A : vector<4096x1xf32> to vector<4096x128xf32>
    %add3A_586 = arith.addf %add3A_585, %slice3A_584 : vector<4096x128xf32>
    %get3A_587 = arith.constant 36 : index
    %get3A_588 = arith.constant 0 : index
    %get3A_589 = vector.load %arg2[%get3A_587, %get3A_588] : memref<64x128xf32, #tpu.memory_space<vmem>>, vector<1x128xf32>
    %get3A_590 = vector.shape_cast %get3A_589 : vector<1x128xf32> to vector<128xf32>
    %broadcast_in_dim3A_591 = vector.shape_cast %get3A_590 : vector<128xf32> to vector<1x128xf32>
    %add3A_592 = vector.broadcast %broadcast_in_dim3A_591 : vector<1x128xf32> to vector<4096x128xf32>
    %add3A_593 = arith.addf %add3A_586, %add3A_592 : vector<4096x128xf32>
    %lt3A_594 = arith.cmpf olt, %add3A_593, %min3A_583 : vector<4096x128xf32>
    %jit3A_595 = arith.constant 4 : i32
    %broadcast_in_dim3A_596 = vector.broadcast %jit3A_595 : i32 to vector<4096x128xi32>
    %select_n3A_597 = arith.select %lt3A_594, %broadcast_in_dim3A_596, %select_n3A_582 : vector<4096x128xi1>, vector<4096x128xi32>
    %min3A_598 = arith.minimumf %min3A_583, %add3A_593 : vector<4096x128xf32>
    %slice3A_599 = vector.extract_strided_slice %dot_general3A_523 {offsets = [0, 640], sizes = [4096, 128], strides = [1, 1]} : vector<4096x1024xf32> to vector<4096x128xf32>
    %add3A_600 = vector.broadcast %broadcast_in_dim3A : vector<4096x1xf32> to vector<4096x128xf32>
    %add3A_601 = arith.addf %add3A_600, %slice3A_599 : vector<4096x128xf32>
    %get3A_602 = arith.constant 37 : index
    %get3A_603 = arith.constant 0 : index
    %get3A_604 = vector.load %arg2[%get3A_602, %get3A_603] : memref<64x128xf32, #tpu.memory_space<vmem>>, vector<1x128xf32>
    %get3A_605 = vector.shape_cast %get3A_604 : vector<1x128xf32> to vector<128xf32>
    %broadcast_in_dim3A_606 = vector.shape_cast %get3A_605 : vector<128xf32> to vector<1x128xf32>
    %add3A_607 = vector.broadcast %broadcast_in_dim3A_606 : vector<1x128xf32> to vector<4096x128xf32>
    %add3A_608 = arith.addf %add3A_601, %add3A_607 : vector<4096x128xf32>
    %lt3A_609 = arith.cmpf olt, %add3A_608, %min3A_598 : vector<4096x128xf32>
    %jit3A_610 = arith.constant 5 : i32
    %broadcast_in_dim3A_611 = vector.broadcast %jit3A_610 : i32 to vector<4096x128xi32>
    %select_n3A_612 = arith.select %lt3A_609, %broadcast_in_dim3A_611, %select_n3A_597 : vector<4096x128xi1>, vector<4096x128xi32>
    %min3A_613 = arith.minimumf %min3A_598, %add3A_608 : vector<4096x128xf32>
    %slice3A_614 = vector.extract_strided_slice %dot_general3A_523 {offsets = [0, 768], sizes = [4096, 128], strides = [1, 1]} : vector<4096x1024xf32> to vector<4096x128xf32>
    %add3A_615 = vector.broadcast %broadcast_in_dim3A : vector<4096x1xf32> to vector<4096x128xf32>
    %add3A_616 = arith.addf %add3A_615, %slice3A_614 : vector<4096x128xf32>
    %get3A_617 = arith.constant 38 : index
    %get3A_618 = arith.constant 0 : index
    %get3A_619 = vector.load %arg2[%get3A_617, %get3A_618] : memref<64x128xf32, #tpu.memory_space<vmem>>, vector<1x128xf32>
    %get3A_620 = vector.shape_cast %get3A_619 : vector<1x128xf32> to vector<128xf32>
    %broadcast_in_dim3A_621 = vector.shape_cast %get3A_620 : vector<128xf32> to vector<1x128xf32>
    %add3A_622 = vector.broadcast %broadcast_in_dim3A_621 : vector<1x128xf32> to vector<4096x128xf32>
    %add3A_623 = arith.addf %add3A_616, %add3A_622 : vector<4096x128xf32>
    %lt3A_624 = arith.cmpf olt, %add3A_623, %min3A_613 : vector<4096x128xf32>
    %jit3A_625 = arith.constant 6 : i32
    %broadcast_in_dim3A_626 = vector.broadcast %jit3A_625 : i32 to vector<4096x128xi32>
    %select_n3A_627 = arith.select %lt3A_624, %broadcast_in_dim3A_626, %select_n3A_612 : vector<4096x128xi1>, vector<4096x128xi32>
    %min3A_628 = arith.minimumf %min3A_613, %add3A_623 : vector<4096x128xf32>
    %slice3A_629 = vector.extract_strided_slice %dot_general3A_523 {offsets = [0, 896], sizes = [4096, 128], strides = [1, 1]} : vector<4096x1024xf32> to vector<4096x128xf32>
    %add3A_630 = vector.broadcast %broadcast_in_dim3A : vector<4096x1xf32> to vector<4096x128xf32>
    %add3A_631 = arith.addf %add3A_630, %slice3A_629 : vector<4096x128xf32>
    %get3A_632 = arith.constant 39 : index
    %get3A_633 = arith.constant 0 : index
    %get3A_634 = vector.load %arg2[%get3A_632, %get3A_633] : memref<64x128xf32, #tpu.memory_space<vmem>>, vector<1x128xf32>
    %get3A_635 = vector.shape_cast %get3A_634 : vector<1x128xf32> to vector<128xf32>
    %broadcast_in_dim3A_636 = vector.shape_cast %get3A_635 : vector<128xf32> to vector<1x128xf32>
    %add3A_637 = vector.broadcast %broadcast_in_dim3A_636 : vector<1x128xf32> to vector<4096x128xf32>
    %add3A_638 = arith.addf %add3A_631, %add3A_637 : vector<4096x128xf32>
    %lt3A_639 = arith.cmpf olt, %add3A_638, %min3A_628 : vector<4096x128xf32>
    %jit3A_640 = arith.constant 7 : i32
    %broadcast_in_dim3A_641 = vector.broadcast %jit3A_640 : i32 to vector<4096x128xi32>
    %select_n3A_642 = arith.select %lt3A_639, %broadcast_in_dim3A_641, %select_n3A_627 : vector<4096x128xi1>, vector<4096x128xi32>
    %min3A_643 = arith.minimumf %min3A_628, %add3A_638 : vector<4096x128xf32>
    %get3A_644 = arith.constant 5120 : index
    %get3A_645 = arith.constant 0 : index
    %get3A_646 = vector.load %arg3[%get3A_644, %get3A_645] : memref<8192x32xbf16, #tpu.memory_space<vmem>>, vector<1024x32xbf16>
    %dot_general3A_647 = arith.constant dense<0.000000e+00> : vector<4096x1024xf32>
    %dot_general3A_648 = tpu.matmul %convert_element_type3A, %get3A_646, %dot_general3A_647 {dimension_numbers = #tpu.dot_dimension_numbers<[1], [1], [0], [0], [0, 0, 1, 0], [], []>, transpose_lhs_hint = false} : vector<4096x32xbf16>, vector<1024x32xbf16>, vector<4096x1024xf32> -> vector<4096x1024xf32>
    %slice3A_649 = vector.extract_strided_slice %dot_general3A_648 {offsets = [0, 0], sizes = [4096, 128], strides = [1, 1]} : vector<4096x1024xf32> to vector<4096x128xf32>
    %add3A_650 = vector.broadcast %broadcast_in_dim3A : vector<4096x1xf32> to vector<4096x128xf32>
    %add3A_651 = arith.addf %add3A_650, %slice3A_649 : vector<4096x128xf32>
    %get3A_652 = arith.constant 40 : index
    %get3A_653 = arith.constant 0 : index
    %get3A_654 = vector.load %arg2[%get3A_652, %get3A_653] : memref<64x128xf32, #tpu.memory_space<vmem>>, vector<1x128xf32>
    %get3A_655 = vector.shape_cast %get3A_654 : vector<1x128xf32> to vector<128xf32>
    %broadcast_in_dim3A_656 = vector.shape_cast %get3A_655 : vector<128xf32> to vector<1x128xf32>
    %add3A_657 = vector.broadcast %broadcast_in_dim3A_656 : vector<1x128xf32> to vector<4096x128xf32>
    %add3A_658 = arith.addf %add3A_651, %add3A_657 : vector<4096x128xf32>
    %lt3A_659 = arith.cmpf olt, %add3A_658, %min3A_643 : vector<4096x128xf32>
    %jit3A_660 = arith.constant 8 : i32
    %broadcast_in_dim3A_661 = vector.broadcast %jit3A_660 : i32 to vector<4096x128xi32>
    %select_n3A_662 = arith.select %lt3A_659, %broadcast_in_dim3A_661, %select_n3A_642 : vector<4096x128xi1>, vector<4096x128xi32>
    %min3A_663 = arith.minimumf %min3A_643, %add3A_658 : vector<4096x128xf32>
    %slice3A_664 = vector.extract_strided_slice %dot_general3A_648 {offsets = [0, 128], sizes = [4096, 128], strides = [1, 1]} : vector<4096x1024xf32> to vector<4096x128xf32>
    %add3A_665 = vector.broadcast %broadcast_in_dim3A : vector<4096x1xf32> to vector<4096x128xf32>
    %add3A_666 = arith.addf %add3A_665, %slice3A_664 : vector<4096x128xf32>
    %get3A_667 = arith.constant 41 : index
    %get3A_668 = arith.constant 0 : index
    %get3A_669 = vector.load %arg2[%get3A_667, %get3A_668] : memref<64x128xf32, #tpu.memory_space<vmem>>, vector<1x128xf32>
    %get3A_670 = vector.shape_cast %get3A_669 : vector<1x128xf32> to vector<128xf32>
    %broadcast_in_dim3A_671 = vector.shape_cast %get3A_670 : vector<128xf32> to vector<1x128xf32>
    %add3A_672 = vector.broadcast %broadcast_in_dim3A_671 : vector<1x128xf32> to vector<4096x128xf32>
    %add3A_673 = arith.addf %add3A_666, %add3A_672 : vector<4096x128xf32>
    %lt3A_674 = arith.cmpf olt, %add3A_673, %min3A_663 : vector<4096x128xf32>
    %jit3A_675 = arith.constant 9 : i32
    %broadcast_in_dim3A_676 = vector.broadcast %jit3A_675 : i32 to vector<4096x128xi32>
    %select_n3A_677 = arith.select %lt3A_674, %broadcast_in_dim3A_676, %select_n3A_662 : vector<4096x128xi1>, vector<4096x128xi32>
    %min3A_678 = arith.minimumf %min3A_663, %add3A_673 : vector<4096x128xf32>
    %slice3A_679 = vector.extract_strided_slice %dot_general3A_648 {offsets = [0, 256], sizes = [4096, 128], strides = [1, 1]} : vector<4096x1024xf32> to vector<4096x128xf32>
    %add3A_680 = vector.broadcast %broadcast_in_dim3A : vector<4096x1xf32> to vector<4096x128xf32>
    %add3A_681 = arith.addf %add3A_680, %slice3A_679 : vector<4096x128xf32>
    %get3A_682 = arith.constant 42 : index
    %get3A_683 = arith.constant 0 : index
    %get3A_684 = vector.load %arg2[%get3A_682, %get3A_683] : memref<64x128xf32, #tpu.memory_space<vmem>>, vector<1x128xf32>
    %get3A_685 = vector.shape_cast %get3A_684 : vector<1x128xf32> to vector<128xf32>
    %broadcast_in_dim3A_686 = vector.shape_cast %get3A_685 : vector<128xf32> to vector<1x128xf32>
    %add3A_687 = vector.broadcast %broadcast_in_dim3A_686 : vector<1x128xf32> to vector<4096x128xf32>
    %add3A_688 = arith.addf %add3A_681, %add3A_687 : vector<4096x128xf32>
    %lt3A_689 = arith.cmpf olt, %add3A_688, %min3A_678 : vector<4096x128xf32>
    %jit3A_690 = arith.constant 10 : i32
    %broadcast_in_dim3A_691 = vector.broadcast %jit3A_690 : i32 to vector<4096x128xi32>
    %select_n3A_692 = arith.select %lt3A_689, %broadcast_in_dim3A_691, %select_n3A_677 : vector<4096x128xi1>, vector<4096x128xi32>
    %min3A_693 = arith.minimumf %min3A_678, %add3A_688 : vector<4096x128xf32>
    %slice3A_694 = vector.extract_strided_slice %dot_general3A_648 {offsets = [0, 384], sizes = [4096, 128], strides = [1, 1]} : vector<4096x1024xf32> to vector<4096x128xf32>
    %add3A_695 = vector.broadcast %broadcast_in_dim3A : vector<4096x1xf32> to vector<4096x128xf32>
    %add3A_696 = arith.addf %add3A_695, %slice3A_694 : vector<4096x128xf32>
    %get3A_697 = arith.constant 43 : index
    %get3A_698 = arith.constant 0 : index
    %get3A_699 = vector.load %arg2[%get3A_697, %get3A_698] : memref<64x128xf32, #tpu.memory_space<vmem>>, vector<1x128xf32>
    %get3A_700 = vector.shape_cast %get3A_699 : vector<1x128xf32> to vector<128xf32>
    %broadcast_in_dim3A_701 = vector.shape_cast %get3A_700 : vector<128xf32> to vector<1x128xf32>
    %add3A_702 = vector.broadcast %broadcast_in_dim3A_701 : vector<1x128xf32> to vector<4096x128xf32>
    %add3A_703 = arith.addf %add3A_696, %add3A_702 : vector<4096x128xf32>
    %lt3A_704 = arith.cmpf olt, %add3A_703, %min3A_693 : vector<4096x128xf32>
    %jit3A_705 = arith.constant 11 : i32
    %broadcast_in_dim3A_706 = vector.broadcast %jit3A_705 : i32 to vector<4096x128xi32>
    %select_n3A_707 = arith.select %lt3A_704, %broadcast_in_dim3A_706, %select_n3A_692 : vector<4096x128xi1>, vector<4096x128xi32>
    %min3A_708 = arith.minimumf %min3A_693, %add3A_703 : vector<4096x128xf32>
    %slice3A_709 = vector.extract_strided_slice %dot_general3A_648 {offsets = [0, 512], sizes = [4096, 128], strides = [1, 1]} : vector<4096x1024xf32> to vector<4096x128xf32>
    %add3A_710 = vector.broadcast %broadcast_in_dim3A : vector<4096x1xf32> to vector<4096x128xf32>
    %add3A_711 = arith.addf %add3A_710, %slice3A_709 : vector<4096x128xf32>
    %get3A_712 = arith.constant 44 : index
    %get3A_713 = arith.constant 0 : index
    %get3A_714 = vector.load %arg2[%get3A_712, %get3A_713] : memref<64x128xf32, #tpu.memory_space<vmem>>, vector<1x128xf32>
    %get3A_715 = vector.shape_cast %get3A_714 : vector<1x128xf32> to vector<128xf32>
    %broadcast_in_dim3A_716 = vector.shape_cast %get3A_715 : vector<128xf32> to vector<1x128xf32>
    %add3A_717 = vector.broadcast %broadcast_in_dim3A_716 : vector<1x128xf32> to vector<4096x128xf32>
    %add3A_718 = arith.addf %add3A_711, %add3A_717 : vector<4096x128xf32>
    %lt3A_719 = arith.cmpf olt, %add3A_718, %min3A_708 : vector<4096x128xf32>
    %jit3A_720 = arith.constant 12 : i32
    %broadcast_in_dim3A_721 = vector.broadcast %jit3A_720 : i32 to vector<4096x128xi32>
    %select_n3A_722 = arith.select %lt3A_719, %broadcast_in_dim3A_721, %select_n3A_707 : vector<4096x128xi1>, vector<4096x128xi32>
    %min3A_723 = arith.minimumf %min3A_708, %add3A_718 : vector<4096x128xf32>
    %slice3A_724 = vector.extract_strided_slice %dot_general3A_648 {offsets = [0, 640], sizes = [4096, 128], strides = [1, 1]} : vector<4096x1024xf32> to vector<4096x128xf32>
    %add3A_725 = vector.broadcast %broadcast_in_dim3A : vector<4096x1xf32> to vector<4096x128xf32>
    %add3A_726 = arith.addf %add3A_725, %slice3A_724 : vector<4096x128xf32>
    %get3A_727 = arith.constant 45 : index
    %get3A_728 = arith.constant 0 : index
    %get3A_729 = vector.load %arg2[%get3A_727, %get3A_728] : memref<64x128xf32, #tpu.memory_space<vmem>>, vector<1x128xf32>
    %get3A_730 = vector.shape_cast %get3A_729 : vector<1x128xf32> to vector<128xf32>
    %broadcast_in_dim3A_731 = vector.shape_cast %get3A_730 : vector<128xf32> to vector<1x128xf32>
    %add3A_732 = vector.broadcast %broadcast_in_dim3A_731 : vector<1x128xf32> to vector<4096x128xf32>
    %add3A_733 = arith.addf %add3A_726, %add3A_732 : vector<4096x128xf32>
    %lt3A_734 = arith.cmpf olt, %add3A_733, %min3A_723 : vector<4096x128xf32>
    %jit3A_735 = arith.constant 13 : i32
    %broadcast_in_dim3A_736 = vector.broadcast %jit3A_735 : i32 to vector<4096x128xi32>
    %select_n3A_737 = arith.select %lt3A_734, %broadcast_in_dim3A_736, %select_n3A_722 : vector<4096x128xi1>, vector<4096x128xi32>
    %min3A_738 = arith.minimumf %min3A_723, %add3A_733 : vector<4096x128xf32>
    %slice3A_739 = vector.extract_strided_slice %dot_general3A_648 {offsets = [0, 768], sizes = [4096, 128], strides = [1, 1]} : vector<4096x1024xf32> to vector<4096x128xf32>
    %add3A_740 = vector.broadcast %broadcast_in_dim3A : vector<4096x1xf32> to vector<4096x128xf32>
    %add3A_741 = arith.addf %add3A_740, %slice3A_739 : vector<4096x128xf32>
    %get3A_742 = arith.constant 46 : index
    %get3A_743 = arith.constant 0 : index
    %get3A_744 = vector.load %arg2[%get3A_742, %get3A_743] : memref<64x128xf32, #tpu.memory_space<vmem>>, vector<1x128xf32>
    %get3A_745 = vector.shape_cast %get3A_744 : vector<1x128xf32> to vector<128xf32>
    %broadcast_in_dim3A_746 = vector.shape_cast %get3A_745 : vector<128xf32> to vector<1x128xf32>
    %add3A_747 = vector.broadcast %broadcast_in_dim3A_746 : vector<1x128xf32> to vector<4096x128xf32>
    %add3A_748 = arith.addf %add3A_741, %add3A_747 : vector<4096x128xf32>
    %lt3A_749 = arith.cmpf olt, %add3A_748, %min3A_738 : vector<4096x128xf32>
    %jit3A_750 = arith.constant 14 : i32
    %broadcast_in_dim3A_751 = vector.broadcast %jit3A_750 : i32 to vector<4096x128xi32>
    %select_n3A_752 = arith.select %lt3A_749, %broadcast_in_dim3A_751, %select_n3A_737 : vector<4096x128xi1>, vector<4096x128xi32>
    %min3A_753 = arith.minimumf %min3A_738, %add3A_748 : vector<4096x128xf32>
    %slice3A_754 = vector.extract_strided_slice %dot_general3A_648 {offsets = [0, 896], sizes = [4096, 128], strides = [1, 1]} : vector<4096x1024xf32> to vector<4096x128xf32>
    %add3A_755 = vector.broadcast %broadcast_in_dim3A : vector<4096x1xf32> to vector<4096x128xf32>
    %add3A_756 = arith.addf %add3A_755, %slice3A_754 : vector<4096x128xf32>
    %get3A_757 = arith.constant 47 : index
    %get3A_758 = arith.constant 0 : index
    %get3A_759 = vector.load %arg2[%get3A_757, %get3A_758] : memref<64x128xf32, #tpu.memory_space<vmem>>, vector<1x128xf32>
    %get3A_760 = vector.shape_cast %get3A_759 : vector<1x128xf32> to vector<128xf32>
    %broadcast_in_dim3A_761 = vector.shape_cast %get3A_760 : vector<128xf32> to vector<1x128xf32>
    %add3A_762 = vector.broadcast %broadcast_in_dim3A_761 : vector<1x128xf32> to vector<4096x128xf32>
    %add3A_763 = arith.addf %add3A_756, %add3A_762 : vector<4096x128xf32>
    %lt3A_764 = arith.cmpf olt, %add3A_763, %min3A_753 : vector<4096x128xf32>
    %jit3A_765 = arith.constant 15 : i32
    %broadcast_in_dim3A_766 = vector.broadcast %jit3A_765 : i32 to vector<4096x128xi32>
    %select_n3A_767 = arith.select %lt3A_764, %broadcast_in_dim3A_766, %select_n3A_752 : vector<4096x128xi1>, vector<4096x128xi32>
    %min3A_768 = arith.minimumf %min3A_753, %add3A_763 : vector<4096x128xf32>
    %get3A_769 = arith.constant 6144 : index
    %get3A_770 = arith.constant 0 : index
    %get3A_771 = vector.load %arg3[%get3A_769, %get3A_770] : memref<8192x32xbf16, #tpu.memory_space<vmem>>, vector<1024x32xbf16>
    %dot_general3A_772 = arith.constant dense<0.000000e+00> : vector<4096x1024xf32>
    %dot_general3A_773 = tpu.matmul %convert_element_type3A, %get3A_771, %dot_general3A_772 {dimension_numbers = #tpu.dot_dimension_numbers<[1], [1], [0], [0], [0, 0, 1, 0], [], []>, transpose_lhs_hint = false} : vector<4096x32xbf16>, vector<1024x32xbf16>, vector<4096x1024xf32> -> vector<4096x1024xf32>
    %slice3A_774 = vector.extract_strided_slice %dot_general3A_773 {offsets = [0, 0], sizes = [4096, 128], strides = [1, 1]} : vector<4096x1024xf32> to vector<4096x128xf32>
    %add3A_775 = vector.broadcast %broadcast_in_dim3A : vector<4096x1xf32> to vector<4096x128xf32>
    %add3A_776 = arith.addf %add3A_775, %slice3A_774 : vector<4096x128xf32>
    %get3A_777 = arith.constant 48 : index
    %get3A_778 = arith.constant 0 : index
    %get3A_779 = vector.load %arg2[%get3A_777, %get3A_778] : memref<64x128xf32, #tpu.memory_space<vmem>>, vector<1x128xf32>
    %get3A_780 = vector.shape_cast %get3A_779 : vector<1x128xf32> to vector<128xf32>
    %broadcast_in_dim3A_781 = vector.shape_cast %get3A_780 : vector<128xf32> to vector<1x128xf32>
    %add3A_782 = vector.broadcast %broadcast_in_dim3A_781 : vector<1x128xf32> to vector<4096x128xf32>
    %add3A_783 = arith.addf %add3A_776, %add3A_782 : vector<4096x128xf32>
    %lt3A_784 = arith.cmpf olt, %add3A_783, %min3A_768 : vector<4096x128xf32>
    %jit3A_785 = arith.constant 16 : i32
    %broadcast_in_dim3A_786 = vector.broadcast %jit3A_785 : i32 to vector<4096x128xi32>
    %select_n3A_787 = arith.select %lt3A_784, %broadcast_in_dim3A_786, %select_n3A_767 : vector<4096x128xi1>, vector<4096x128xi32>
    %min3A_788 = arith.minimumf %min3A_768, %add3A_783 : vector<4096x128xf32>
    %slice3A_789 = vector.extract_strided_slice %dot_general3A_773 {offsets = [0, 128], sizes = [4096, 128], strides = [1, 1]} : vector<4096x1024xf32> to vector<4096x128xf32>
    %add3A_790 = vector.broadcast %broadcast_in_dim3A : vector<4096x1xf32> to vector<4096x128xf32>
    %add3A_791 = arith.addf %add3A_790, %slice3A_789 : vector<4096x128xf32>
    %get3A_792 = arith.constant 49 : index
    %get3A_793 = arith.constant 0 : index
    %get3A_794 = vector.load %arg2[%get3A_792, %get3A_793] : memref<64x128xf32, #tpu.memory_space<vmem>>, vector<1x128xf32>
    %get3A_795 = vector.shape_cast %get3A_794 : vector<1x128xf32> to vector<128xf32>
    %broadcast_in_dim3A_796 = vector.shape_cast %get3A_795 : vector<128xf32> to vector<1x128xf32>
    %add3A_797 = vector.broadcast %broadcast_in_dim3A_796 : vector<1x128xf32> to vector<4096x128xf32>
    %add3A_798 = arith.addf %add3A_791, %add3A_797 : vector<4096x128xf32>
    %lt3A_799 = arith.cmpf olt, %add3A_798, %min3A_788 : vector<4096x128xf32>
    %jit3A_800 = arith.constant 17 : i32
    %broadcast_in_dim3A_801 = vector.broadcast %jit3A_800 : i32 to vector<4096x128xi32>
    %select_n3A_802 = arith.select %lt3A_799, %broadcast_in_dim3A_801, %select_n3A_787 : vector<4096x128xi1>, vector<4096x128xi32>
    %min3A_803 = arith.minimumf %min3A_788, %add3A_798 : vector<4096x128xf32>
    %slice3A_804 = vector.extract_strided_slice %dot_general3A_773 {offsets = [0, 256], sizes = [4096, 128], strides = [1, 1]} : vector<4096x1024xf32> to vector<4096x128xf32>
    %add3A_805 = vector.broadcast %broadcast_in_dim3A : vector<4096x1xf32> to vector<4096x128xf32>
    %add3A_806 = arith.addf %add3A_805, %slice3A_804 : vector<4096x128xf32>
    %get3A_807 = arith.constant 50 : index
    %get3A_808 = arith.constant 0 : index
    %get3A_809 = vector.load %arg2[%get3A_807, %get3A_808] : memref<64x128xf32, #tpu.memory_space<vmem>>, vector<1x128xf32>
    %get3A_810 = vector.shape_cast %get3A_809 : vector<1x128xf32> to vector<128xf32>
    %broadcast_in_dim3A_811 = vector.shape_cast %get3A_810 : vector<128xf32> to vector<1x128xf32>
    %add3A_812 = vector.broadcast %broadcast_in_dim3A_811 : vector<1x128xf32> to vector<4096x128xf32>
    %add3A_813 = arith.addf %add3A_806, %add3A_812 : vector<4096x128xf32>
    %lt3A_814 = arith.cmpf olt, %add3A_813, %min3A_803 : vector<4096x128xf32>
    %jit3A_815 = arith.constant 18 : i32
    %broadcast_in_dim3A_816 = vector.broadcast %jit3A_815 : i32 to vector<4096x128xi32>
    %select_n3A_817 = arith.select %lt3A_814, %broadcast_in_dim3A_816, %select_n3A_802 : vector<4096x128xi1>, vector<4096x128xi32>
    %min3A_818 = arith.minimumf %min3A_803, %add3A_813 : vector<4096x128xf32>
    %slice3A_819 = vector.extract_strided_slice %dot_general3A_773 {offsets = [0, 384], sizes = [4096, 128], strides = [1, 1]} : vector<4096x1024xf32> to vector<4096x128xf32>
    %add3A_820 = vector.broadcast %broadcast_in_dim3A : vector<4096x1xf32> to vector<4096x128xf32>
    %add3A_821 = arith.addf %add3A_820, %slice3A_819 : vector<4096x128xf32>
    %get3A_822 = arith.constant 51 : index
    %get3A_823 = arith.constant 0 : index
    %get3A_824 = vector.load %arg2[%get3A_822, %get3A_823] : memref<64x128xf32, #tpu.memory_space<vmem>>, vector<1x128xf32>
    %get3A_825 = vector.shape_cast %get3A_824 : vector<1x128xf32> to vector<128xf32>
    %broadcast_in_dim3A_826 = vector.shape_cast %get3A_825 : vector<128xf32> to vector<1x128xf32>
    %add3A_827 = vector.broadcast %broadcast_in_dim3A_826 : vector<1x128xf32> to vector<4096x128xf32>
    %add3A_828 = arith.addf %add3A_821, %add3A_827 : vector<4096x128xf32>
    %lt3A_829 = arith.cmpf olt, %add3A_828, %min3A_818 : vector<4096x128xf32>
    %jit3A_830 = arith.constant 19 : i32
    %broadcast_in_dim3A_831 = vector.broadcast %jit3A_830 : i32 to vector<4096x128xi32>
    %select_n3A_832 = arith.select %lt3A_829, %broadcast_in_dim3A_831, %select_n3A_817 : vector<4096x128xi1>, vector<4096x128xi32>
    %min3A_833 = arith.minimumf %min3A_818, %add3A_828 : vector<4096x128xf32>
    %slice3A_834 = vector.extract_strided_slice %dot_general3A_773 {offsets = [0, 512], sizes = [4096, 128], strides = [1, 1]} : vector<4096x1024xf32> to vector<4096x128xf32>
    %add3A_835 = vector.broadcast %broadcast_in_dim3A : vector<4096x1xf32> to vector<4096x128xf32>
    %add3A_836 = arith.addf %add3A_835, %slice3A_834 : vector<4096x128xf32>
    %get3A_837 = arith.constant 52 : index
    %get3A_838 = arith.constant 0 : index
    %get3A_839 = vector.load %arg2[%get3A_837, %get3A_838] : memref<64x128xf32, #tpu.memory_space<vmem>>, vector<1x128xf32>
    %get3A_840 = vector.shape_cast %get3A_839 : vector<1x128xf32> to vector<128xf32>
    %broadcast_in_dim3A_841 = vector.shape_cast %get3A_840 : vector<128xf32> to vector<1x128xf32>
    %add3A_842 = vector.broadcast %broadcast_in_dim3A_841 : vector<1x128xf32> to vector<4096x128xf32>
    %add3A_843 = arith.addf %add3A_836, %add3A_842 : vector<4096x128xf32>
    %lt3A_844 = arith.cmpf olt, %add3A_843, %min3A_833 : vector<4096x128xf32>
    %jit3A_845 = arith.constant 20 : i32
    %broadcast_in_dim3A_846 = vector.broadcast %jit3A_845 : i32 to vector<4096x128xi32>
    %select_n3A_847 = arith.select %lt3A_844, %broadcast_in_dim3A_846, %select_n3A_832 : vector<4096x128xi1>, vector<4096x128xi32>
    %min3A_848 = arith.minimumf %min3A_833, %add3A_843 : vector<4096x128xf32>
    %slice3A_849 = vector.extract_strided_slice %dot_general3A_773 {offsets = [0, 640], sizes = [4096, 128], strides = [1, 1]} : vector<4096x1024xf32> to vector<4096x128xf32>
    %add3A_850 = vector.broadcast %broadcast_in_dim3A : vector<4096x1xf32> to vector<4096x128xf32>
    %add3A_851 = arith.addf %add3A_850, %slice3A_849 : vector<4096x128xf32>
    %get3A_852 = arith.constant 53 : index
    %get3A_853 = arith.constant 0 : index
    %get3A_854 = vector.load %arg2[%get3A_852, %get3A_853] : memref<64x128xf32, #tpu.memory_space<vmem>>, vector<1x128xf32>
    %get3A_855 = vector.shape_cast %get3A_854 : vector<1x128xf32> to vector<128xf32>
    %broadcast_in_dim3A_856 = vector.shape_cast %get3A_855 : vector<128xf32> to vector<1x128xf32>
    %add3A_857 = vector.broadcast %broadcast_in_dim3A_856 : vector<1x128xf32> to vector<4096x128xf32>
    %add3A_858 = arith.addf %add3A_851, %add3A_857 : vector<4096x128xf32>
    %lt3A_859 = arith.cmpf olt, %add3A_858, %min3A_848 : vector<4096x128xf32>
    %jit3A_860 = arith.constant 21 : i32
    %broadcast_in_dim3A_861 = vector.broadcast %jit3A_860 : i32 to vector<4096x128xi32>
    %select_n3A_862 = arith.select %lt3A_859, %broadcast_in_dim3A_861, %select_n3A_847 : vector<4096x128xi1>, vector<4096x128xi32>
    %min3A_863 = arith.minimumf %min3A_848, %add3A_858 : vector<4096x128xf32>
    %slice3A_864 = vector.extract_strided_slice %dot_general3A_773 {offsets = [0, 768], sizes = [4096, 128], strides = [1, 1]} : vector<4096x1024xf32> to vector<4096x128xf32>
    %add3A_865 = vector.broadcast %broadcast_in_dim3A : vector<4096x1xf32> to vector<4096x128xf32>
    %add3A_866 = arith.addf %add3A_865, %slice3A_864 : vector<4096x128xf32>
    %get3A_867 = arith.constant 54 : index
    %get3A_868 = arith.constant 0 : index
    %get3A_869 = vector.load %arg2[%get3A_867, %get3A_868] : memref<64x128xf32, #tpu.memory_space<vmem>>, vector<1x128xf32>
    %get3A_870 = vector.shape_cast %get3A_869 : vector<1x128xf32> to vector<128xf32>
    %broadcast_in_dim3A_871 = vector.shape_cast %get3A_870 : vector<128xf32> to vector<1x128xf32>
    %add3A_872 = vector.broadcast %broadcast_in_dim3A_871 : vector<1x128xf32> to vector<4096x128xf32>
    %add3A_873 = arith.addf %add3A_866, %add3A_872 : vector<4096x128xf32>
    %lt3A_874 = arith.cmpf olt, %add3A_873, %min3A_863 : vector<4096x128xf32>
    %jit3A_875 = arith.constant 22 : i32
    %broadcast_in_dim3A_876 = vector.broadcast %jit3A_875 : i32 to vector<4096x128xi32>
    %select_n3A_877 = arith.select %lt3A_874, %broadcast_in_dim3A_876, %select_n3A_862 : vector<4096x128xi1>, vector<4096x128xi32>
    %min3A_878 = arith.minimumf %min3A_863, %add3A_873 : vector<4096x128xf32>
    %slice3A_879 = vector.extract_strided_slice %dot_general3A_773 {offsets = [0, 896], sizes = [4096, 128], strides = [1, 1]} : vector<4096x1024xf32> to vector<4096x128xf32>
    %add3A_880 = vector.broadcast %broadcast_in_dim3A : vector<4096x1xf32> to vector<4096x128xf32>
    %add3A_881 = arith.addf %add3A_880, %slice3A_879 : vector<4096x128xf32>
    %get3A_882 = arith.constant 55 : index
    %get3A_883 = arith.constant 0 : index
    %get3A_884 = vector.load %arg2[%get3A_882, %get3A_883] : memref<64x128xf32, #tpu.memory_space<vmem>>, vector<1x128xf32>
    %get3A_885 = vector.shape_cast %get3A_884 : vector<1x128xf32> to vector<128xf32>
    %broadcast_in_dim3A_886 = vector.shape_cast %get3A_885 : vector<128xf32> to vector<1x128xf32>
    %add3A_887 = vector.broadcast %broadcast_in_dim3A_886 : vector<1x128xf32> to vector<4096x128xf32>
    %add3A_888 = arith.addf %add3A_881, %add3A_887 : vector<4096x128xf32>
    %lt3A_889 = arith.cmpf olt, %add3A_888, %min3A_878 : vector<4096x128xf32>
    %jit3A_890 = arith.constant 23 : i32
    %broadcast_in_dim3A_891 = vector.broadcast %jit3A_890 : i32 to vector<4096x128xi32>
    %select_n3A_892 = arith.select %lt3A_889, %broadcast_in_dim3A_891, %select_n3A_877 : vector<4096x128xi1>, vector<4096x128xi32>
    %min3A_893 = arith.minimumf %min3A_878, %add3A_888 : vector<4096x128xf32>
    %get3A_894 = arith.constant 7168 : index
    %get3A_895 = arith.constant 0 : index
    %get3A_896 = vector.load %arg3[%get3A_894, %get3A_895] : memref<8192x32xbf16, #tpu.memory_space<vmem>>, vector<1024x32xbf16>
    %dot_general3A_897 = arith.constant dense<0.000000e+00> : vector<4096x1024xf32>
    %dot_general3A_898 = tpu.matmul %convert_element_type3A, %get3A_896, %dot_general3A_897 {dimension_numbers = #tpu.dot_dimension_numbers<[1], [1], [0], [0], [0, 0, 1, 0], [], []>, transpose_lhs_hint = false} : vector<4096x32xbf16>, vector<1024x32xbf16>, vector<4096x1024xf32> -> vector<4096x1024xf32>
    %slice3A_899 = vector.extract_strided_slice %dot_general3A_898 {offsets = [0, 0], sizes = [4096, 128], strides = [1, 1]} : vector<4096x1024xf32> to vector<4096x128xf32>
    %add3A_900 = vector.broadcast %broadcast_in_dim3A : vector<4096x1xf32> to vector<4096x128xf32>
    %add3A_901 = arith.addf %add3A_900, %slice3A_899 : vector<4096x128xf32>
    %get3A_902 = arith.constant 56 : index
    %get3A_903 = arith.constant 0 : index
    %get3A_904 = vector.load %arg2[%get3A_902, %get3A_903] : memref<64x128xf32, #tpu.memory_space<vmem>>, vector<1x128xf32>
    %get3A_905 = vector.shape_cast %get3A_904 : vector<1x128xf32> to vector<128xf32>
    %broadcast_in_dim3A_906 = vector.shape_cast %get3A_905 : vector<128xf32> to vector<1x128xf32>
    %add3A_907 = vector.broadcast %broadcast_in_dim3A_906 : vector<1x128xf32> to vector<4096x128xf32>
    %add3A_908 = arith.addf %add3A_901, %add3A_907 : vector<4096x128xf32>
    %lt3A_909 = arith.cmpf olt, %add3A_908, %min3A_893 : vector<4096x128xf32>
    %jit3A_910 = arith.constant 24 : i32
    %broadcast_in_dim3A_911 = vector.broadcast %jit3A_910 : i32 to vector<4096x128xi32>
    %select_n3A_912 = arith.select %lt3A_909, %broadcast_in_dim3A_911, %select_n3A_892 : vector<4096x128xi1>, vector<4096x128xi32>
    %min3A_913 = arith.minimumf %min3A_893, %add3A_908 : vector<4096x128xf32>
    %slice3A_914 = vector.extract_strided_slice %dot_general3A_898 {offsets = [0, 128], sizes = [4096, 128], strides = [1, 1]} : vector<4096x1024xf32> to vector<4096x128xf32>
    %add3A_915 = vector.broadcast %broadcast_in_dim3A : vector<4096x1xf32> to vector<4096x128xf32>
    %add3A_916 = arith.addf %add3A_915, %slice3A_914 : vector<4096x128xf32>
    %get3A_917 = arith.constant 57 : index
    %get3A_918 = arith.constant 0 : index
    %get3A_919 = vector.load %arg2[%get3A_917, %get3A_918] : memref<64x128xf32, #tpu.memory_space<vmem>>, vector<1x128xf32>
    %get3A_920 = vector.shape_cast %get3A_919 : vector<1x128xf32> to vector<128xf32>
    %broadcast_in_dim3A_921 = vector.shape_cast %get3A_920 : vector<128xf32> to vector<1x128xf32>
    %add3A_922 = vector.broadcast %broadcast_in_dim3A_921 : vector<1x128xf32> to vector<4096x128xf32>
    %add3A_923 = arith.addf %add3A_916, %add3A_922 : vector<4096x128xf32>
    %lt3A_924 = arith.cmpf olt, %add3A_923, %min3A_913 : vector<4096x128xf32>
    %jit3A_925 = arith.constant 25 : i32
    %broadcast_in_dim3A_926 = vector.broadcast %jit3A_925 : i32 to vector<4096x128xi32>
    %select_n3A_927 = arith.select %lt3A_924, %broadcast_in_dim3A_926, %select_n3A_912 : vector<4096x128xi1>, vector<4096x128xi32>
    %min3A_928 = arith.minimumf %min3A_913, %add3A_923 : vector<4096x128xf32>
    %slice3A_929 = vector.extract_strided_slice %dot_general3A_898 {offsets = [0, 256], sizes = [4096, 128], strides = [1, 1]} : vector<4096x1024xf32> to vector<4096x128xf32>
    %add3A_930 = vector.broadcast %broadcast_in_dim3A : vector<4096x1xf32> to vector<4096x128xf32>
    %add3A_931 = arith.addf %add3A_930, %slice3A_929 : vector<4096x128xf32>
    %get3A_932 = arith.constant 58 : index
    %get3A_933 = arith.constant 0 : index
    %get3A_934 = vector.load %arg2[%get3A_932, %get3A_933] : memref<64x128xf32, #tpu.memory_space<vmem>>, vector<1x128xf32>
    %get3A_935 = vector.shape_cast %get3A_934 : vector<1x128xf32> to vector<128xf32>
    %broadcast_in_dim3A_936 = vector.shape_cast %get3A_935 : vector<128xf32> to vector<1x128xf32>
    %add3A_937 = vector.broadcast %broadcast_in_dim3A_936 : vector<1x128xf32> to vector<4096x128xf32>
    %add3A_938 = arith.addf %add3A_931, %add3A_937 : vector<4096x128xf32>
    %lt3A_939 = arith.cmpf olt, %add3A_938, %min3A_928 : vector<4096x128xf32>
    %jit3A_940 = arith.constant 26 : i32
    %broadcast_in_dim3A_941 = vector.broadcast %jit3A_940 : i32 to vector<4096x128xi32>
    %select_n3A_942 = arith.select %lt3A_939, %broadcast_in_dim3A_941, %select_n3A_927 : vector<4096x128xi1>, vector<4096x128xi32>
    %min3A_943 = arith.minimumf %min3A_928, %add3A_938 : vector<4096x128xf32>
    %slice3A_944 = vector.extract_strided_slice %dot_general3A_898 {offsets = [0, 384], sizes = [4096, 128], strides = [1, 1]} : vector<4096x1024xf32> to vector<4096x128xf32>
    %add3A_945 = vector.broadcast %broadcast_in_dim3A : vector<4096x1xf32> to vector<4096x128xf32>
    %add3A_946 = arith.addf %add3A_945, %slice3A_944 : vector<4096x128xf32>
    %get3A_947 = arith.constant 59 : index
    %get3A_948 = arith.constant 0 : index
    %get3A_949 = vector.load %arg2[%get3A_947, %get3A_948] : memref<64x128xf32, #tpu.memory_space<vmem>>, vector<1x128xf32>
    %get3A_950 = vector.shape_cast %get3A_949 : vector<1x128xf32> to vector<128xf32>
    %broadcast_in_dim3A_951 = vector.shape_cast %get3A_950 : vector<128xf32> to vector<1x128xf32>
    %add3A_952 = vector.broadcast %broadcast_in_dim3A_951 : vector<1x128xf32> to vector<4096x128xf32>
    %add3A_953 = arith.addf %add3A_946, %add3A_952 : vector<4096x128xf32>
    %lt3A_954 = arith.cmpf olt, %add3A_953, %min3A_943 : vector<4096x128xf32>
    %jit3A_955 = arith.constant 27 : i32
    %broadcast_in_dim3A_956 = vector.broadcast %jit3A_955 : i32 to vector<4096x128xi32>
    %select_n3A_957 = arith.select %lt3A_954, %broadcast_in_dim3A_956, %select_n3A_942 : vector<4096x128xi1>, vector<4096x128xi32>
    %min3A_958 = arith.minimumf %min3A_943, %add3A_953 : vector<4096x128xf32>
    %slice3A_959 = vector.extract_strided_slice %dot_general3A_898 {offsets = [0, 512], sizes = [4096, 128], strides = [1, 1]} : vector<4096x1024xf32> to vector<4096x128xf32>
    %add3A_960 = vector.broadcast %broadcast_in_dim3A : vector<4096x1xf32> to vector<4096x128xf32>
    %add3A_961 = arith.addf %add3A_960, %slice3A_959 : vector<4096x128xf32>
    %get3A_962 = arith.constant 60 : index
    %get3A_963 = arith.constant 0 : index
    %get3A_964 = vector.load %arg2[%get3A_962, %get3A_963] : memref<64x128xf32, #tpu.memory_space<vmem>>, vector<1x128xf32>
    %get3A_965 = vector.shape_cast %get3A_964 : vector<1x128xf32> to vector<128xf32>
    %broadcast_in_dim3A_966 = vector.shape_cast %get3A_965 : vector<128xf32> to vector<1x128xf32>
    %add3A_967 = vector.broadcast %broadcast_in_dim3A_966 : vector<1x128xf32> to vector<4096x128xf32>
    %add3A_968 = arith.addf %add3A_961, %add3A_967 : vector<4096x128xf32>
    %lt3A_969 = arith.cmpf olt, %add3A_968, %min3A_958 : vector<4096x128xf32>
    %jit3A_970 = arith.constant 28 : i32
    %broadcast_in_dim3A_971 = vector.broadcast %jit3A_970 : i32 to vector<4096x128xi32>
    %select_n3A_972 = arith.select %lt3A_969, %broadcast_in_dim3A_971, %select_n3A_957 : vector<4096x128xi1>, vector<4096x128xi32>
    %min3A_973 = arith.minimumf %min3A_958, %add3A_968 : vector<4096x128xf32>
    %slice3A_974 = vector.extract_strided_slice %dot_general3A_898 {offsets = [0, 640], sizes = [4096, 128], strides = [1, 1]} : vector<4096x1024xf32> to vector<4096x128xf32>
    %add3A_975 = vector.broadcast %broadcast_in_dim3A : vector<4096x1xf32> to vector<4096x128xf32>
    %add3A_976 = arith.addf %add3A_975, %slice3A_974 : vector<4096x128xf32>
    %get3A_977 = arith.constant 61 : index
    %get3A_978 = arith.constant 0 : index
    %get3A_979 = vector.load %arg2[%get3A_977, %get3A_978] : memref<64x128xf32, #tpu.memory_space<vmem>>, vector<1x128xf32>
    %get3A_980 = vector.shape_cast %get3A_979 : vector<1x128xf32> to vector<128xf32>
    %broadcast_in_dim3A_981 = vector.shape_cast %get3A_980 : vector<128xf32> to vector<1x128xf32>
    %add3A_982 = vector.broadcast %broadcast_in_dim3A_981 : vector<1x128xf32> to vector<4096x128xf32>
    %add3A_983 = arith.addf %add3A_976, %add3A_982 : vector<4096x128xf32>
    %lt3A_984 = arith.cmpf olt, %add3A_983, %min3A_973 : vector<4096x128xf32>
    %jit3A_985 = arith.constant 29 : i32
    %broadcast_in_dim3A_986 = vector.broadcast %jit3A_985 : i32 to vector<4096x128xi32>
    %select_n3A_987 = arith.select %lt3A_984, %broadcast_in_dim3A_986, %select_n3A_972 : vector<4096x128xi1>, vector<4096x128xi32>
    %min3A_988 = arith.minimumf %min3A_973, %add3A_983 : vector<4096x128xf32>
    %slice3A_989 = vector.extract_strided_slice %dot_general3A_898 {offsets = [0, 768], sizes = [4096, 128], strides = [1, 1]} : vector<4096x1024xf32> to vector<4096x128xf32>
    %add3A_990 = vector.broadcast %broadcast_in_dim3A : vector<4096x1xf32> to vector<4096x128xf32>
    %add3A_991 = arith.addf %add3A_990, %slice3A_989 : vector<4096x128xf32>
    %get3A_992 = arith.constant 62 : index
    %get3A_993 = arith.constant 0 : index
    %get3A_994 = vector.load %arg2[%get3A_992, %get3A_993] : memref<64x128xf32, #tpu.memory_space<vmem>>, vector<1x128xf32>
    %get3A_995 = vector.shape_cast %get3A_994 : vector<1x128xf32> to vector<128xf32>
    %broadcast_in_dim3A_996 = vector.shape_cast %get3A_995 : vector<128xf32> to vector<1x128xf32>
    %add3A_997 = vector.broadcast %broadcast_in_dim3A_996 : vector<1x128xf32> to vector<4096x128xf32>
    %add3A_998 = arith.addf %add3A_991, %add3A_997 : vector<4096x128xf32>
    %lt3A_999 = arith.cmpf olt, %add3A_998, %min3A_988 : vector<4096x128xf32>
    %jit3A_1000 = arith.constant 30 : i32
    %broadcast_in_dim3A_1001 = vector.broadcast %jit3A_1000 : i32 to vector<4096x128xi32>
    %select_n3A_1002 = arith.select %lt3A_999, %broadcast_in_dim3A_1001, %select_n3A_987 : vector<4096x128xi1>, vector<4096x128xi32>
    %min3A_1003 = arith.minimumf %min3A_988, %add3A_998 : vector<4096x128xf32>
    %slice3A_1004 = vector.extract_strided_slice %dot_general3A_898 {offsets = [0, 896], sizes = [4096, 128], strides = [1, 1]} : vector<4096x1024xf32> to vector<4096x128xf32>
    %add3A_1005 = vector.broadcast %broadcast_in_dim3A : vector<4096x1xf32> to vector<4096x128xf32>
    %add3A_1006 = arith.addf %add3A_1005, %slice3A_1004 : vector<4096x128xf32>
    %get3A_1007 = arith.constant 63 : index
    %get3A_1008 = arith.constant 0 : index
    %get3A_1009 = vector.load %arg2[%get3A_1007, %get3A_1008] : memref<64x128xf32, #tpu.memory_space<vmem>>, vector<1x128xf32>
    %get3A_1010 = vector.shape_cast %get3A_1009 : vector<1x128xf32> to vector<128xf32>
    %broadcast_in_dim3A_1011 = vector.shape_cast %get3A_1010 : vector<128xf32> to vector<1x128xf32>
    %add3A_1012 = vector.broadcast %broadcast_in_dim3A_1011 : vector<1x128xf32> to vector<4096x128xf32>
    %add3A_1013 = arith.addf %add3A_1006, %add3A_1012 : vector<4096x128xf32>
    %lt3A_1014 = arith.cmpf olt, %add3A_1013, %min3A_1003 : vector<4096x128xf32>
    %jit3A_1015 = arith.constant 31 : i32
    %broadcast_in_dim3A_1016 = vector.broadcast %jit3A_1015 : i32 to vector<4096x128xi32>
    %select_n3A_1017 = arith.select %lt3A_1014, %broadcast_in_dim3A_1016, %select_n3A_1002 : vector<4096x128xi1>, vector<4096x128xi32>
    %min3A_1018 = arith.minimumf %min3A_1003, %add3A_1013 : vector<4096x128xf32>
    %reduce_min3A_1019 = arith.constant dense<0x7F800000> : vector<4096xf32>
    %reduce_min3A_1020 = vector.multi_reduction <minimumf>, %min3A_1018, %reduce_min3A_1019 [1] : vector<4096x128xf32> to vector<4096xf32>
    %broadcast_in_dim3A_1021 = vector.shape_cast %reduce_min3A_1020 : vector<4096xf32> to vector<4096x1xf32>
    %eq3A_1022 = vector.broadcast %broadcast_in_dim3A_1021 : vector<4096x1xf32> to vector<4096x128xf32>
    %eq3A_1023 = arith.cmpf oeq, %min3A_1018, %eq3A_1022 : vector<4096x128xf32>
    %mul3A_1024 = arith.constant 128 : i32
    %mul3A_1025 = vector.broadcast %mul3A_1024 : i32 to vector<4096x128xi32>
    %mul3A_1026 = arith.muli %select_n3A_1017, %mul3A_1025 : vector<4096x128xi32>
    %add3A_1027 = arith.addi %mul3A_1026, %iota3A : vector<4096x128xi32>
    %jit3A_1028 = arith.constant 8192 : i32
    %broadcast_in_dim3A_1029 = vector.broadcast %jit3A_1028 : i32 to vector<4096x128xi32>
    %select_n3A_1030 = arith.select %eq3A_1023, %add3A_1027, %broadcast_in_dim3A_1029 : vector<4096x128xi1>, vector<4096x128xi32>
    %reduce_min3A_1031 = arith.constant dense<2147483647> : vector<4096xi32>
    %reduce_min3A_1032 = vector.multi_reduction <minsi>, %select_n3A_1030, %reduce_min3A_1031 [1] : vector<4096x128xi32> to vector<4096xi32>
    %convert_element_type3A_1033 = arith.truncf %reduce_min3A_503 : vector<4096xf32> to vector<4096xbf16>
    %convert_element_type3A_1034 = arith.extf %convert_element_type3A_1033 : vector<4096xbf16> to vector<4096xf32>
    %lt3A_1035 = arith.cmpf olt, %reduce_min3A_1020, %convert_element_type3A_1034 : vector<4096xf32>
    %add3A_1036 = arith.constant 4096 : i32
    %add3A_1037 = vector.broadcast %add3A_1036 : i32 to vector<4096xi32>
    %add3A_1038 = arith.addi %reduce_min3A_1032, %add3A_1037 : vector<4096xi32>
    %select_n3A_1039 = arith.select %lt3A_1035, %add3A_1038, %reduce_min3A_514 : vector<4096xi1>, vector<4096xi32>
    %swap3A = arith.constant 0 : index
    %swap3A_1040 = vector.load %arg4[%swap3A] : memref<4096xi32, #tpu.memory_space<vmem>>, vector<4096xi32>
    tpu.vector_store %arg4[%swap3A], %select_n3A_1039 {strides = array<i32>} : memref<4096xi32, #tpu.memory_space<vmem>>, vector<4096xi32>,
    return
  }
  func.func @transform_0(%arg0: i32) -> (i32, i32) {
    %c0_i32 = arith.constant 0 : i32
    %c0_i32_0 = arith.constant 0 : i32
    return %arg0, %c0_i32 : i32, i32
  }
  func.func @transform_1(%arg0: i32) -> (i32, i32) {
    %c0_i32 = arith.constant 0 : i32
    %c0_i32_0 = arith.constant 0 : i32
    %c0_i32_1 = arith.constant 0 : i32
    return %c0_i32, %c0_i32_0 : i32, i32
  }
  func.func @transform_2(%arg0: i32) -> (i32, i32) {
    %c0_i32 = arith.constant 0 : i32
    %c0_i32_0 = arith.constant 0 : i32
    %c0_i32_1 = arith.constant 0 : i32
    return %c0_i32, %c0_i32_0 : i32, i32
  }
  func.func @transform_3(%arg0: i32) -> i32 {
    %c0_i32 = arith.constant 0 : i32
    return %arg0 : i32
  }
}

module attributes {stable_mosaic.version = 14 : i64} {
  func.func @_st_body(%arg0: i32, %arg1: memref<2048x32xf32, #tpu.memory_space<vmem>>, %arg2: memref<2048x128xf32, #tpu.memory_space<vmem>>, %arg3: memref<2048x32xf32, #tpu.memory_space<vmem>>, %arg4: memref<2048x32xf32, #tpu.memory_space<vmem>>, %arg5: memref<1x1xf32, #tpu.memory_space<vmem>>) attributes {dimension_semantics = [#tpu.dimension_semantics<arbitrary>], iteration_bounds = array<i64: 8>, scalar_prefetch = 0 : i64, scratch_operands = 0 : i64, tpu.core_type = #tpu.core_type<tc>, window_params = [{transform_indices = @transform_0, window_bounds = array<i64: 2048, 32>}, {transform_indices = @transform_1, window_bounds = array<i64: 2048, 128>}, {transform_indices = @transform_2, window_bounds = array<i64: 2048, 32>}, {transform_indices = @transform_3, window_bounds = array<i64: 2048, 32>}, {pipeline_mode = #tpu.pipeline_mode<synchronous>, transform_indices = @transform_4, window_bounds = array<i64: 1, 1>}]} {
    %get3A = arith.constant 0 : index
    %get3A_0 = arith.constant 0 : index
    %get3A_1 = vector.load %arg1[%get3A, %get3A_0] : memref<2048x32xf32, #tpu.memory_space<vmem>>, vector<2048x32xf32>
    %get3A_2 = arith.constant 0 : index
    %get3A_3 = arith.constant 0 : index
    %get3A_4 = vector.load %arg2[%get3A_2, %get3A_3] : memref<2048x128xf32, #tpu.memory_space<vmem>>, vector<2048x32xf32>
    %sub3A = arith.subf %get3A_4, %get3A_1 : vector<2048x32xf32>
    %add3A = arith.addf %get3A_1, %sub3A : vector<2048x32xf32>
    %swap3A = arith.constant 0 : index
    %swap3A_5 = arith.constant 0 : index
    %swap3A_6 = vector.load %arg3[%swap3A, %swap3A_5] : memref<2048x32xf32, #tpu.memory_space<vmem>>, vector<2048x32xf32>
    tpu.vector_store %arg3[%swap3A, %swap3A_5], %add3A {strides = array<i32>} : memref<2048x32xf32, #tpu.memory_space<vmem>>, vector<2048x32xf32>,
    %sub3A_7 = arith.subf %get3A_1, %get3A_4 : vector<2048x32xf32>
    %swap3A_8 = arith.constant 0 : index
    %swap3A_9 = arith.constant 0 : index
    %swap3A_10 = vector.load %arg4[%swap3A_8, %swap3A_9] : memref<2048x32xf32, #tpu.memory_space<vmem>>, vector<2048x32xf32>
    tpu.vector_store %arg4[%swap3A_8, %swap3A_9], %sub3A_7 {strides = array<i32>} : memref<2048x32xf32, #tpu.memory_space<vmem>>, vector<2048x32xf32>,
    %eq3A = arith.constant 0 : i32
    %eq3A_11 = arith.cmpi eq, %arg0, %eq3A : i32
    %convert_element_type3A = arith.extui %eq3A_11 : i1 to i32
    %cond3A = arith.constant 0 : i32
    %cond3A_12 = arith.cmpi ne, %convert_element_type3A, %cond3A : i32
    scf.if %cond3A_12 {
      %broadcast_in_dim3A_27 = arith.constant 0.000000e+00 : f32
      %broadcast_in_dim3A_28 = vector.broadcast %broadcast_in_dim3A_27 : f32 to vector<1x1xf32>
      %swap3A_29 = arith.constant 0 : index
      %swap3A_30 = arith.constant 0 : index
      %swap3A_31 = vector.load %arg5[%swap3A_29, %swap3A_30] : memref<1x1xf32, #tpu.memory_space<vmem>>, vector<1x1xf32>
      tpu.vector_store %arg5[%swap3A_29, %swap3A_30], %broadcast_in_dim3A_28 {strides = array<i32>} : memref<1x1xf32, #tpu.memory_space<vmem>>, vector<1x1xf32>,
    } else {
    }
    %get3A_13 = arith.constant 0 : index
    %get3A_14 = arith.constant 0 : index
    %get3A_15 = vector.load %arg5[%get3A_13, %get3A_14] : memref<1x1xf32, #tpu.memory_space<vmem>>, vector<1x1xf32>
    %mul3A = arith.mulf %sub3A_7, %sub3A_7 : vector<2048x32xf32>
    %reduce_sum3A = vector.shape_cast %mul3A : vector<2048x32xf32> to vector<1x2048x32xf32>
    %reduce_sum3A_16 = arith.constant dense<0.000000e+00> : vector<1xf32>
    %reduce_sum3A_17 = vector.multi_reduction <add>, %reduce_sum3A, %reduce_sum3A_16 [1, 2] : vector<1x2048x32xf32> to vector<1xf32>
    %reduce_sum3A_18 = vector.shape_cast %reduce_sum3A_17 : vector<1xf32> to vector<1x1x1xf32>
    %reduce_sum3A_19 = vector.extract %reduce_sum3A_18[0, 0, 0] : f32 from vector<1x1x1xf32>
    %broadcast_in_dim3A = vector.broadcast %reduce_sum3A_19 : f32 to vector<1x1xf32>
    %mul3A_20 = arith.constant 4.76837158E-7 : f32
    %mul3A_21 = vector.broadcast %mul3A_20 : f32 to vector<1x1xf32>
    %mul3A_22 = arith.mulf %broadcast_in_dim3A, %mul3A_21 : vector<1x1xf32>
    %add3A_23 = arith.addf %get3A_15, %mul3A_22 : vector<1x1xf32>
    %swap3A_24 = arith.constant 0 : index
    %swap3A_25 = arith.constant 0 : index
    %swap3A_26 = vector.load %arg5[%swap3A_24, %swap3A_25] : memref<1x1xf32, #tpu.memory_space<vmem>>, vector<1x1xf32>
    tpu.vector_store %arg5[%swap3A_24, %swap3A_25], %add3A_23 {strides = array<i32>} : memref<1x1xf32, #tpu.memory_space<vmem>>, vector<1x1xf32>,
    return
  }
  func.func @transform_0(%arg0: i32) -> (i32, i32) {
    %c0_i32 = arith.constant 0 : i32
    %c0_i32_0 = arith.constant 0 : i32
    return %arg0, %c0_i32 : i32, i32
  }
  func.func @transform_1(%arg0: i32) -> (i32, i32) {
    %c0_i32 = arith.constant 0 : i32
    %c0_i32_0 = arith.constant 0 : i32
    return %arg0, %c0_i32 : i32, i32
  }
  func.func @transform_2(%arg0: i32) -> (i32, i32) {
    %c0_i32 = arith.constant 0 : i32
    %c0_i32_0 = arith.constant 0 : i32
    return %arg0, %c0_i32 : i32, i32
  }
  func.func @transform_3(%arg0: i32) -> (i32, i32) {
    %c0_i32 = arith.constant 0 : i32
    %c0_i32_0 = arith.constant 0 : i32
    return %arg0, %c0_i32 : i32, i32
  }
  func.func @transform_4(%arg0: i32) -> (i32, i32) {
    %c0_i32 = arith.constant 0 : i32
    %c0_i32_0 = arith.constant 0 : i32
    %c0_i32_1 = arith.constant 0 : i32
    return %c0_i32, %c0_i32_0 : i32, i32
  }
}

</mosaic_0001>

<sc_bundles>
// kernel: kernel.6.cloned.1.call-start
scs
__scs_entry_jumppad:
0x0: {  	(pc) =	sbr.rel $0x88, $3  }
0x1: {  	(tag) =	ssettag $0x0;
	lr =	simm.s32 $0x1  }
0x2: {  	[smem:$0x3F9F] =	sst lr;
	_ =	strace $0xD0000000  }
0x3: {  	_ = 	snop  }
0x4: {  	_ = 	snop  }
0x5: {  	_ = 	snop  }
0x6: {  	_ = 	snop  }
0x7: {  	_ = 	snop  }
__scs_overlays_trampoline_lowered:
0x8: {  	[smem:$0x3FAE] =	sst s0  }
0x9: {  	[smem:$0x3FAF] =	sst s1  }
0xa: {  	[smem:$0x3FB0] =	sst s2  }
0xb: {  	[smem:$0x3FB1] =	sst s3  }
0xc: {  	[smem:$0x3FB2] =	sst s4  }
0xd: {  	[smem:$0x3FB3] =	sst s5  }
0xe: {  	[smem:$0x3FB4] =	sst s6  }
0xf: {  	[smem:$0x3FB5] =	sst s7  }
0x10: {  	[smem:$0x3FB6] =	sst s8  }
0x11: {  	[smem:$0x3FB7] =	sst s9;
	s0 =	simm.s32 @!p0 $0x0  }
0x12: {  	s1 =	sld [smem:$0x3F9D];
	s0 =	simm.s32 @p0 $0x1  }
0x13: {  	[smem:$0x3FB8] =	sst s0;
	s0 =	simm.s32 @!p1 $0x0  }
0x14: {  	s2 =	sld [smem:$0x3F9C];
	s0 =	simm.s32 @p1 $0x1  }
0x15: {  	[smem:$0x3FB9] =	sst s0;
	s0 =	simm.s32 @!p2 $0x0  }
0x16: {  	s3 =	sld [smem:$0x3FDB];
	s0 =	simm.s32 @p2 $0x1  }
0x17: {  	s4 =	simm.s32 $0x1BF5;
	[smem:$0x3FBB] =	sst s0  }
0x18: {  	s0 =	sld [smem:$0x3F9E];
	_ =	swait.ge [sflag:s4], $0x0  }
0x19: {  	s7 =	sld [smem:$0x3F9F]  }
0x1a: {  	s8 =	sadd.s32 $0xFFFFE003, lr  }
0x1b: {  	s9 =	sadd.s32 $0xFFFFFEF7, lr;
	s5 =	simm.s32 $0xFFFFFFFF;
	p2 =	slt.u32 s8, $0xFFFFF086  }
0x1c: {  	p1 =	slt.u32 s9, $0xF7A;
	s5 =	simm.s32 @!p2 $0x0  }
0x1d: {  	s5 =	simm.s32 @p1 $0x1;
	p0 =	seq.s32 s7, s2  }
0x1e: {  	s7 =	smul.u32 @!p0 $0xF7A, s2;
	p2 =	seq.s32 @!p0 s5, $0x0  }
0x1f: {  	s9 =	smul.u32 $0xF7A, s1;
	s8 =	simm.s32 @!p0 $0x1BF5;
	p2 =	por !p2, p0  }
0x20: {  	[sflag:s8] =	ssyncset.s32 @!p0 $0xFFFFF086;
	s6 =	sadd.s32 @!p0 s3, s7;
	s7 =	simm.s32 @!p0 $0x108  }
0x21: {  	s3 =	sadd.s32 s3, s9;
	s6 =	sadd.s32 @!p0 $0x88, s6;
	s7 =	simm.s32 @p2 $0x1082  }
0x22: {  	[simem:s7], [sflag:s8] =	dma.local @!p0 [hbm:s6], $0xF7A  }
0x23: {  	s9 =	sor.u32 $0xD0000000, s2;
	s6 =	simm.s32 $0x108;
	_ =	swait.ge @!p0 [sflag:s8], $0x0  }
0x24: {  	s3 =	sadd.s32 $0x88, s3;
	s6 =	simm.s32 @!p1 $0x1082;
	[sflag:s4] =	ssyncset.s32 $0xFFFFF086  }
0x25: {  	[simem:s6], [sflag:s4] =	dma.local [hbm:s3], $0xF7A  }
0x26: {  	[smem:$0x3F9F] =	sst s1;
	(tag) =	ssettag s2;
	_ =	strace s9  }
0x27: {  	s1 =	sld [smem:$0x3FAF]  }
0x28: {  	s2 =	sld [smem:$0x3FB0]  }
0x29: {  	s4 =	sld [smem:$0x3FB2]  }
0x2a: {  	p0 =	seq.s32 s5, $0x0;
	s5 =	sld [smem:$0x3FB3]  }
0x2b: {  	s6 =	sld [smem:$0x3FB4]  }
0x2c: {  	s7 =	sld [smem:$0x3FB5]  }
0x2d: {  	s3 =	simm.s32 $0x108;
	s8 =	sld [smem:$0x3FB6]  }
0x2e: {  	s3 =	simm.s32 @!p0 $0x1082;
	s9 =	sld [smem:$0x3FB7]  }
0x2f: {  	lr =	sadd.s32 s0, s3;
	s0 =	sld [smem:$0x3FAE]  }
0x30: {  	s3 =	sld [smem:$0x3FB1]  }
0x31: {  	[smem:$0x3FBA] =	sst s10  }
0x32: {  	s10 =	sld [smem:$0x3FB8];
	_ =	sdelay $0x3  }
0x33: {  	p0 =	seq.s32 s10, $0x1;
	s10 =	sld [smem:$0x3FBA];
	_ =	sdelay $0x3  }
0x34: {  	[smem:$0x3FBA] =	sst s10  }
0x35: {  	s10 =	sld [smem:$0x3FB9];
	_ =	sdelay $0x3  }
0x36: {  	p1 =	seq.s32 s10, $0x1;
	s10 =	sld [smem:$0x3FBA];
	_ =	sdelay $0x3  }
0x37: {  	[smem:$0x3FBA] =	sst s10  }
0x38: {  	s10 =	sld [smem:$0x3FBB]  }
0x39: {  	_ = 	snop;
	(pc) =	sbr.ind lr, $3  }
0x3a: {  	_ = 	snop  }
0x3b: {  	_ = 	snop  }
0x3c: {  	p2 =	seq.s32 s10, $0x1;
	s10 =	sld [smem:$0x3FBA]  }
0x3d: {  	_ =	shalt  }
0x3e: {  	_ =	shalt  }
0x3f: {  	_ =	shalt  }
0x40: {  	_ =	shalt  }
0x41: {  	_ =	shalt  }
0x42: {  	_ =	shalt  }
0x43: {  	_ =	shalt  }
0x44: {  	_ =	shalt  }
0x45: {  	_ =	shalt  }
0x46: {  	_ =	shalt  }
0x47: {  	_ =	shalt  }
0x48: {  	_ =	shalt  }
0x49: {  	_ =	shalt  }
0x4a: {  	_ =	shalt  }
0x4b: {  	_ =	shalt  }
0x4c: {  	_ =	shalt  }
0x4d: {  	_ =	shalt  }
0x4e: {  	_ =	shalt  }
0x4f: {  	_ =	shalt  }
0x50: {  	_ =	shalt  }
0x51: {  	_ =	shalt  }
0x52: {  	_ =	shalt  }
0x53: {  	_ =	shalt  }
0x54: {  	_ =	shalt  }
0x55: {  	_ =	shalt  }
0x56: {  	_ =	shalt  }
0x57: {  	_ =	shalt  }
0x58: {  	_ =	shalt  }
0x59: {  	_ =	shalt  }
0x5a: {  	_ =	shalt  }
0x5b: {  	_ =	shalt  }
0x5c: {  	_ =	shalt  }
0x5d: {  	_ =	shalt  }
0x5e: {  	_ =	shalt  }
0x5f: {  	_ =	shalt  }
0x60: {  	_ =	shalt  }
0x61: {  	_ =	shalt  }
0x62: {  	_ =	shalt  }
0x63: {  	_ =	shalt  }
0x64: {  	_ =	shalt  }
0x65: {  	_ =	shalt  }
0x66: {  	_ =	shalt  }
0x67: {  	_ =	shalt  }
0x68: {  	_ =	shalt  }
0x69: {  	_ =	shalt  }
0x6a: {  	_ =	shalt  }
0x6b: {  	_ =	shalt  }
0x6c: {  	_ =	shalt  }
0x6d: {  	_ =	shalt  }
0x6e: {  	_ =	shalt  }
0x6f: {  	_ =	shalt  }
0x70: {  	_ =	shalt  }
0x71: {  	_ =	shalt  }
0x72: {  	_ =	shalt  }
0x73: {  	_ =	shalt  }
0x74: {  	_ =	shalt  }
0x75: {  	_ =	shalt  }
0x76: {  	_ =	shalt  }
0x77: {  	_ =	shalt  }
0x78: {  	_ =	shalt  }
0x79: {  	_ =	shalt  }
0x7a: {  	_ =	shalt  }
0x7b: {  	_ =	shalt  }
0x7c: {  	_ =	shalt  }
0x7d: {  	_ =	shalt  }
0x7e: {  	_ =	shalt  }
0x7f: {  	_ =	shalt  }
0x80: {  	_ =	shalt  }
0x81: {  	_ =	shalt  }
0x82: {  	_ =	shalt  }
0x83: {  	_ =	shalt  }
0x84: {  	_ =	shalt  }
0x85: {  	_ =	shalt  }
0x86: {  	_ =	shalt  }
0x87: {  	_ =	shalt  }
.Lfunc_end0:
.L_simem_size_0:
called_computation_lowered:
.L_overlay_start_0:
0x88: {  	s2 =	sld [smem:$0x3FD9]  }
0x89: {  	s3 =	sld [smem:$0x3FFE];
	_ =	sdelay $0x1  }
0x8a: {  	s1 =	srdreg.scid  }
0x8b: {  	s0 =	sand.u32 $0x1, s1  }
0x8c: {  	s14 =	sshll.u32 s0, $0xA;
	s2 =	sadd.s32 s3, s2  }
0x8d: {  	s2 =	sadd.s32 s2, s14  }
0x8e: {  	[smem:$0x3FC6] =	sst s2  }
0x8f: {  	_ = 	snop  }
0x90: {  	s2 =	sld [smem:$0x3FD0];
	_ =	sdelay $0x2  }
0x91: {  	s15 =	simm.s32 $0xA;
	s4 =	simm.s32 $0x10  }
0x92: {  	[smem:s4], [sflag:s15] =	dma.local [hbm:s2], $0x1  }
0x93: {  	_ =	swait.eq [sflag:s15], $0x1  }
0x94: {  	[sflag:s15] =	ssyncset.done $0x0  }
0x95: {  	[sflag:s15] =	ssyncadd.s32 $0xFFFFFFFF  }
0x96: {  	s16 =	sld [smem:$0x11];
	(tm) =	ssettm $0x1  }
0x97: {  	s17 =	sld [smem:$0x3FFB];
	_ =	sdelay $0x3  }
0x98: {  	_ =	strace s17  }
0x99: {  	s3 =	sld [smem:$0x3FFC];
	_ =	sdelay $0x3  }
0x9a: {  	_ =	strace s3  }
0x9b: {  	s3 =	sld [smem:$0x3FFD];
	_ =	sdelay $0x3  }
0x9c: {  	_ =	strace s3  }
0x9d: {  	_ =	strace $0x8FFFFFFF  }
0x9e: {  	s18 =	sld [smem:$0x3FDB];
	_ =	sdelay $0x1  }
0x9f: {  	s19 =	simm.s32 $_scs_section_size  }
0xa0: {  	s5 =	simm.s32 $_size__tile_overlayer_lowered;
	s6 =	simm.s32 $_tile_overlayer_lowered  }
0xa1: {  	s22 =	simm.s32 $0x1BFF;
	s21 =	sshll.u32 s6, $0x1;
	s3 =	sadd.s32 s19, s18  }
0xa2: {  	s7 =	simm.s32 $0x0;
	s20 =	sshll.u32 s5, $0x1;
	s5 =	sadd.s32 s21, s3  }
0xa3: {  	[timem:s7], [sflag:s22] =	dma.local [hbm:s5], s20  }
0xa4: {  	_ =	swait.ge [sflag:s22], s20  }
0xa5: {  	s4 =	ssub.s32 $0x0, s20;
	[sflag:s22] =	ssyncset.done $0x0  }
0xa6: {  	[sflag:s22] =	ssyncadd.s32 s4;
	_ =	sdelay $0x1  }
0xa7: {  	s23 =	simm.s32 $0x1B8B  }
0xa8: {  	_ =	swait.ge [sflag:s23], $0x1  }
0xa9: {  	[sflag:s23] =	ssyncset.done $0x0  }
0xaa: {  	s25 =	simm.s32 $0x1B8E;
	s24 =	sld [smem:$0x3FFE];
	[sflag:s23] =	ssyncadd.s32 $0xFFFFFFFF  }
0xab: {  	s26 =	simm.s32 $execute0_lowered;
	[smem:$0x3FD2] =	sst s25  }
0xac: {  	s5 =	sshll.u32 s26, $0x1;
	_ =	strace $0x80000046;
	[dreg:$0x1] =	wrdreg $0xFFFFFFFF  }
0xad: {  	s28 =	simm.s32 $_size_execute0_lowered;
	s3 =	sadd.s32 s3, s5;
	[dreg:$0x0] =	wrdreg $0x0  }
0xae: {  	s5 =	sshll.u32 s28, $0x1;
	[dreg:$0x2] =	wrdreg s3  }
0xaf: {  	[dreg:$0x3] =	wrdreg s5  }
0xb0: {  	[dreg:$0x4] =	wrdreg $0xC0  }
0xb1: {  	_ =	task [dreg:s7], $0x5FFFF  }
0xb2: {  	[dreg:$0x1] =	wrdreg $0xFFFFFFFF  }
0xb3: {  	[dreg:$0x0] =	wrdreg $0x60  }
0xb4: {  	[dreg:$0x2] =	wrdreg s24  }
0xb5: {  	[dreg:$0x3] =	wrdreg s16  }
0xb6: {  	[dreg:$0x4] =	wrdreg $0x9  }
0xb7: {  	_ =	task.clear_ibuf [dreg:s7], $0x5FFFF;
	_ =	strace $0x90000046  }
0xb8: {  	s29 =	simm.s32 $0x9;
	_ =	strace $0x80000048  }
0xb9: {  	_ =	swait.ge [sflag:s29], $0x1  }
0xba: {  	[sflag:s29] =	ssyncadd.s32 $0xFFFFFFFF  }
0xbb: {  	_ =	strace $0x90000048  }
0xbc: {  	_ =	sfence  }
0xbd: {  	s30 =	sld [smem:$0x0];
	_ =	sdelay $0x2  }
0xbe: {  	s31 =	sshll.u32 s1, $0xD;
	s1 =	sshrl.u32 s1, $0x2  }
0xbf: {  	s3 =	sand.u32 $0x4000, s31;
	s1 =	sadd.s32 s1, s30  }
0xc0: {  	s0 =	sor.u32 s3, s0;
	s1 =	sshll.u32 s1, $0x11  }
0xc1: {  	s0 =	sor.u32 s1, s0  }
0xc2: {  	s0 =	sadd.s32 $0x8F2B, s0  }
0xc3: {  	[sflag:s0] =	ssyncadd.remote.s32 $0x1  }
0xc4: {  	_ =	sfence.sel $0xFFFF  }
0xc5: {  	[dreg:$0x0] =	wrdreg $0xFFFFFFFF;
	(pc) =	sbr.abs _section_cstart, $3  }
0xc6: {  	[dreg:$0x1] =	wrdreg $0xFFFFFFFF  }
0xc7: {  	_ =	task.clear_ibuf [dreg:s7], $0x2FFFF;
	_ =	strace $0x9FFFFFFF  }
0xc8: {  	(tm) =	ssettm $0x7FFFFFFF  }
0xc9: {  	_ =	shalt  }
tec
execute0_lowered:
.L_overlay_start_1:
0x0: {  	(tag) =	ssettag $0x1  }
0x1: {  	s14 =	rddreg [dreg:$0x0]  }
0x2: {  	s3 =	rddreg [dreg:$0x1];
	s1 =	srdreg.scid  }
0x3: {  	s0 =	rddreg [dreg:$0x2];
	s15 =	sand.u32 $0x1, s1  }
0x4: {  	s2 =	simm.s32 $0x0;
	s1 =	stileid.u32;
	s4 =	sshll.u32 s15, $0x6  }
0x5: {  	[smem:$0x7FF] =	sst s2;
	s5 =	sshll.u32 s1, $0x7;
	s3 =	sadd.s32 s3, s4  }
0x6: {  	_ =	strace $0x80000047;
	s4 =	sadd.s32 s5, s3;
	s3 =	simm.s32 $0x2  }
0x7: {  	[tilespmem:s2], [sflag:$0x2] =	stream.linear.gather [hbm4b:s4+s2], $0x200, $0x38;
	[tilespmem:$0x10200] =	vst v63  }
0x8: {  	_ =	swait.ge [sflag:s3], $0x200  }
0x9: {  	s6 =	simm.s32 $0x80;
	[sflag:s3] =	ssyncset.done $0x0  }
0xa: {  	s7 =	simm.s32 $0x200;
	s5 =	sadd.s32 $0xC00, s14;
	[sflag:s3] =	ssyncadd.s32 $0xFFFFFE00  }
0xb: {  	[tilespmem:s7], [sflag:$0x1] =	stream.indirect.gather [hbm4b:s5+s6], $0x80, s2, s6, $0xb8;
	[tilespmem:$0x10200] =	vst v63  }
0xc: {  	s8 =	simm.s32 $0x4200  }
0xd: {  	[tilespmem:s8], [sflag:$0x1] =	stream.indirect.gather [hbm4b:s5+s6], $0x80, s6, s6, $0xb8;
	[tilespmem:$0x10200] =	vst v63  }
0xe: {  	s9 =	simm.s32 $0x100;
	s10 =	simm.s32 $0x8200  }
0xf: {  	[tilespmem:s10], [sflag:$0x1] =	stream.indirect.gather [hbm4b:s5+s6], $0x80, s9, s6, $0xb8;
	[tilespmem:$0x10200] =	vst v63  }
0x10: {  	s11 =	simm.s32 $0x180;
	s12 =	simm.s32 $0xC200;
	s13 =	simm.s32 $0x1  }
0x11: {  	[tilespmem:s12], [sflag:$0x1] =	stream.indirect.gather [hbm4b:s5+s6], $0x80, s11, s6, $0xb8;
	[tilespmem:$0x10200] =	vst v63  }
0x12: {  	_ =	swait.ge [sflag:s13], $0x4000  }
0x13: {  	[sflag:s13] =	ssyncset.done $0x0  }
0x14: {  	[sflag:s13] =	ssyncadd.s32 $0xFFFFC000  }
0x15: {  	_ =	swait.ge [sflag:s13], $0x4000  }
0x16: {  	[sflag:s13] =	ssyncset.done $0x0  }
0x17: {  	s16 =	sshll.u32 s15, $0xD;
	s15 =	ssub.s32 $0x2, s15;
	[sflag:s13] =	ssyncadd.s32 $0xFFFFC000  }
0x18: {  	s31 =	sshrl.u32 s15, $0x1;
	_ =	swait.ge [sflag:s13], $0x4000  }
0x19: {  	s15 =	ssub.s32 s15, s31;
	[sflag:s13] =	ssyncset.done $0x0  }
0x1a: {  	s17 =	sshll.u32 s1, $0xE;
	s15 =	smax.u32 s15, $0x1;
	[sflag:s13] =	ssyncadd.s32 $0xFFFFC000  }
0x1b: {  	s14 =	sadd.s32 s16, s14;
	p0 =	sne.s32 s15, $0x1;
	_ =	swait.ge [sflag:s13], $0x4000  }
.Ltmp0:
0x1c: {  	s14 =	sadd.s32 s17, s14;
	[sflag:s13] =	ssyncset.done $0x0;
	(pc) =	sbr.rel @!p0 .LBB2_2-.Ltmp0, $4  }
0x1d: {  	s14 =	sadd.s32 $0x60C00, s14;
	[sflag:s13] =	ssyncadd.s32 $0xFFFFC000  }
0x1e: {  	[hbm4b:s14+s2] =	stream.linear.scatter [tilespmem:s7], [sflag:$0x2], $0x10000, $0x38;
	[tilespmem:$0x10200] =	vst v63  }
0x1f: {  	_ =	swait.ge [sflag:s3], $0x10000  }
0x20: {  	s15 =	sadd.s32 $0xFFFFFFFF, s15;
	[sflag:s3] =	ssyncset.done $0x0  }
.LBB2_1:
0x21: {  	p0 =	sne.s32 s15, $0x1;
	s15 =	sadd.s32 $0xFFFFFFFF, s15;
	[sflag:s3] =	ssyncadd.s32 $0xFFFF0000  }
0x22: {  	[tilespmem:s2], [sflag:$0x2] =	stream.linear.gather [hbm4b:s4+s2], $0x200, $0x38;
	[tilespmem:$0x10200] =	vst v63  }
0x23: {  	_ =	swait.ge [sflag:s3], $0x200  }
0x24: {  	[sflag:s3] =	ssyncset.done $0x0  }
0x25: {  	[sflag:s3] =	ssyncadd.s32 $0xFFFFFE00  }
0x26: {  	[tilespmem:s7], [sflag:$0x1] =	stream.indirect.gather [hbm4b:s5+s6], $0x80, s2, s6, $0xb8;
	[tilespmem:$0x10200] =	vst v63  }
0x27: {  	_ = 	snop  }
0x28: {  	[tilespmem:s8], [sflag:$0x1] =	stream.indirect.gather [hbm4b:s5+s6], $0x80, s6, s6, $0xb8;
	[tilespmem:$0x10200] =	vst v63  }
0x29: {  	_ = 	snop  }
0x2a: {  	[tilespmem:s10], [sflag:$0x1] =	stream.indirect.gather [hbm4b:s5+s6], $0x80, s9, s6, $0xb8;
	[tilespmem:$0x10200] =	vst v63  }
0x2b: {  	_ = 	snop  }
0x2c: {  	[tilespmem:s12], [sflag:$0x1] =	stream.indirect.gather [hbm4b:s5+s6], $0x80, s11, s6, $0xb8;
	[tilespmem:$0x10200] =	vst v63  }
0x2d: {  	_ =	swait.ge [sflag:s13], $0x4000  }
0x2e: {  	[sflag:s13] =	ssyncset.done $0x0  }
0x2f: {  	[sflag:s13] =	ssyncadd.s32 $0xFFFFC000  }
0x30: {  	_ =	swait.ge [sflag:s13], $0x4000  }
0x31: {  	[sflag:s13] =	ssyncset.done $0x0  }
0x32: {  	[sflag:s13] =	ssyncadd.s32 $0xFFFFC000  }
0x33: {  	_ =	swait.ge [sflag:s13], $0x4000  }
0x34: {  	[sflag:s13] =	ssyncset.done $0x0  }
0x35: {  	[sflag:s13] =	ssyncadd.s32 $0xFFFFC000  }
0x36: {  	_ =	swait.ge [sflag:s13], $0x4000  }
.Ltmp1:
0x37: {  	[sflag:s13] =	ssyncset.done $0x0;
	(pc) =	sbr.rel @p0 .LBB2_1-.Ltmp1, $4  }
0x38: {  	[sflag:s13] =	ssyncadd.s32 $0xFFFFC000  }
0x39: {  	[hbm4b:s14+s2] =	stream.linear.scatter [tilespmem:s7], [sflag:$0x2], $0x10000, $0x38;
	[tilespmem:$0x10200] =	vst v63  }
0x3a: {  	_ =	swait.ge [sflag:s3], $0x10000  }
0x3b: {  	[sflag:s3] =	ssyncset.done $0x0  }
.LBB2_2:
0x3c: {  	[sflag:s3] =	ssyncadd.s32 $0xFFFF0000  }
0x3d: {  	_ =	sfence.sel $0x180000  }
0x3e: {  	[bflag:$0x0] =	sbarrier.arrive $0xFFFF  }
0x3f: {  	p0 =	sne.s32 s1, $0x0;
	_ =	strace $0x90000047  }
0x40: {  	s0 =	sadd.s32 @!p0 $0x100000, s0;
	[bflag:$0x2] =	sbarrier.arrive $0xFFFF  }
0x41: {  	[sflag:s0] =	ssyncadd.tile.s32 @!p0 $0x1;
	_ =	shalt  }
.Lfunc_end2:
_tile_overlayer_lowered:
.L_overlay_start_2:
0x42: {  	(tag) =	ssettag $0x2  }
0x43: {  	s0 =	rddreg [dreg:$0x0];
	s2 =	stileid.u32  }
0x44: {  	s1 =	rddreg [dreg:$0x1];
	p0 =	sne.s32 s2, $0x0  }
0x45: {  	s3 =	rddreg [dreg:$0x2];
	[bflag:$0x3] =	sbarrier.arrive $0xFFFF;
	s2 =	simm.s32 @!p0 $0x1C02  }
0x46: {  	[timem:s3], [sflag:s2] =	dma.local @!p0 [hbm:s0], s1  }
0x47: {  	s0 =	simm.s32 @!p0 $0x2  }
0x48: {  	_ =	swait.ge @!p0 [sflag:s0], s1  }
0x49: {  	s1 =	ssub.s32 @!p0 $0x0, s1;
	[sflag:s0] =	ssyncset.done @!p0 $0x0  }
0x4a: {  	[sflag:s0] =	ssyncadd.s32 @!p0 s1  }
0x4b: {  	[bflag:$0x3] =	sbarrier.arrive $0xFFFF  }
0x4c: {  	_ =	shalt  }

</sc_bundles>
